<compile_context>
chip_gen: v7x
topology: tpu7x:2x2x1
jax: 0.10.2.dev20260603
libtpu: 0.0.44.dev20260713+nightly
codegen_flags: <defaults>
</compile_context>

<pallas_src>
import jax
import jax.numpy as jnp
from jax import lax
from jax.experimental import pallas as pl
from jax.experimental.pallas import tpu as pltpu
from jax.experimental.pallas import tpu_sc as plsc

_VOCAB = 1000000
_D = 32
_B = 4096
_H = 200
_N = _B * _H
_NW = 32
_BC = 512
_TPH = _B // _BC
_NTASK = _H * _TPH
_PW = _NTASK // _NW
_G = _BC // 16
_BT = _BC // 128


def _gather_kernel(idx_hbm, w_hbm, out_hbm, *refs):
    idx = refs[0:2]
    rows = refs[2:4]
    cb = refs[4:6]
    gsem = refs[6:8]
    wsem = refs[8:10]
    isem = refs[10:12]
    wid = lax.axis_index("s") * 2 + lax.axis_index("c")
    t0 = wid * _PW
    iota = lax.iota(jnp.int32, 16)

    def stage(j, p):
        pltpu.async_copy(
            idx_hbm.at[pl.ds((t0 + j) * _BC, _BC)], idx[p], isem[p]
        )

    def wait_stage(p):
        pltpu.make_async_copy(
            idx_hbm.at[pl.ds(0, _BC)], idx[p], isem[p]
        ).wait()

    def start_gather(p):
        pltpu.async_copy(w_hbm.at[idx[p]], rows[p], gsem[p])

    def wait_gather(p):
        pltpu.make_async_copy(w_hbm.at[idx[p]], rows[p], gsem[p]).wait()

    def wait_writeback(p):
        pltpu.make_async_copy(
            cb[p], out_hbm.at[0, :, pl.ds(0, _BT), :], wsem[p]
        ).wait()

    stage(0, 0)
    wait_stage(0)
    start_gather(0)
    stage(1, 1)

    def outer(jj, carry):
        for b in (0, 1):
            j = jj * 2 + b
            p = b
            t = t0 + j

            def launch_next(p1=1 - p):
                wait_stage(p1)
                start_gather(p1)

            if b == 0:
                launch_next()
            else:
                pl.when(jj < _PW // 2 - 1)(launch_next)

            wait_gather(p)
            pl.when(jj < _PW // 2 - 1)(lambda p=p, jn=j + 2: stage(jn, p))
            pl.when(jj > 0)(lambda p=p: wait_writeback(p))

            def tbody(bg, tc, p=p):
                bvec = bg * 16 + iota
                bt = lax.shift_right_logical(bg, 3)
                btvec = jnp.full((16,), 0, jnp.int32) + bt
                blvec = (bg & 7) * 16 + iota
                for c0 in (0, 16):
                    for d in range(16):
                        crot = c0 + ((iota + d) & 15)
                        vals = plsc.load_gather(rows[p], [bvec, crot])
                        plsc.store_scatter(
                            cb[p], [crot, btvec, blvec], vals
                        )
                return tc

            lax.fori_loop(0, _G, tbody, 0)

            h = lax.shift_right_logical(t, 3)
            bt0 = (t & 7) * _BT
            pltpu.async_copy(
                cb[p], out_hbm.at[h, :, pl.ds(bt0, _BT), :], wsem[p]
            )
        return carry

    lax.fori_loop(0, _PW // 2, outer, 0)

    for p in (0, 1):
        wait_writeback(p)


@jax.jit
def _embed(xt_flat, W):
    mesh = plsc.VectorSubcoreMesh(core_axis_name="c", subcore_axis_name="s")
    run = pl.kernel(
        _gather_kernel,
        mesh=mesh,
        out_type=jax.ShapeDtypeStruct((_H, _D, _B // 128, 128), jnp.float32),
        scratch_types=(
            [pltpu.VMEM((_BC,), jnp.int32) for _ in range(2)]
            + [pltpu.VMEM((_BC, _D), jnp.float32) for _ in range(2)]
            + [pltpu.VMEM((_D, _BT, 128), jnp.float32) for _ in range(2)]
            + [pltpu.SemaphoreType.DMA for _ in range(6)]
        ),
        compiler_params=pltpu.CompilerParams(
            use_tc_tiling_on_sc=False, needs_layout_passes=False
        ),
    )
    return run(xt_flat, W)


def kernel(x, W):
    xt_flat = jnp.transpose(x).reshape(_N)
    out4 = _embed(xt_flat, W)
    out3 = out4.reshape(_H, _D, _B)
    return jnp.transpose(out3, (2, 0, 1))

# --- scband reference (transcript-rebuilt; emitter-appended) ---
"""Pipeline reference for scband-token-embedding-16346645529285 (READ-ONLY COPY).

The authoritative reference and input builder live on the scoring server;
editing this copy changes nothing except your own understanding.
"""

import jax, jax.numpy as jnp
import numpy as np

VOCAB = 1000000
EMBED_DIM = 32
BATCH = 4096
HIST = 200


def setup_inputs(seed: int = 0) -> dict:
    key = jax.random.key(seed)
    k_idx, k_w = jax.random.split(key)
    x = jax.random.randint(k_idx, (BATCH, HIST), 0, VOCAB, dtype=jnp.int64 if jax.config.jax_enable_x64 else jnp.int32)
    W = jax.random.normal(k_w, (VOCAB, EMBED_DIM), dtype=jnp.float32)
    return {"x": x, "W": W}


def reference(x, W):
    # TokenEmbedding.forward: embedding lookup followed by dropout (p=0.0 -> identity)
    out = jnp.take(W, x, axis=0)
    return out

if __name__ == "__main__":
    import jax
    _d = setup_inputs()
    print(jax.jit(kernel)(*tuple(_d.values())))

</pallas_src>

<mosaic_0001>
#map = affine_map<(d0, d1) -> (0)>
#map1 = affine_map<(d0, d1) -> (0, 0)>
#map2 = affine_map<(d0, d1) -> (0, 0, 0, 0)>
module attributes {stable_mosaic.version = 14 : i64} {
  func.func @_gather_kernel(%arg0: i32, %arg1: i32, %arg2: memref<819200xi32, #tpu.memory_space<hbm>>, %arg3: memref<1000000x32xf32, #tpu.memory_space<hbm>>, %arg4: memref<200x32x32x128xf32, #tpu.memory_space<hbm>>, %arg5: memref<512xi32, #tpu.memory_space<vmem>>, %arg6: memref<512xi32, #tpu.memory_space<vmem>>, %arg7: memref<512x32xf32, #tpu.memory_space<vmem>>, %arg8: memref<512x32xf32, #tpu.memory_space<vmem>>, %arg9: memref<32x4x128xf32, #tpu.memory_space<vmem>>, %arg10: memref<32x4x128xf32, #tpu.memory_space<vmem>>, %arg11: memref<!tpu.dma_semaphore, #tpu.memory_space<semaphore_mem>>, %arg12: memref<!tpu.dma_semaphore, #tpu.memory_space<semaphore_mem>>, %arg13: memref<!tpu.dma_semaphore, #tpu.memory_space<semaphore_mem>>, %arg14: memref<!tpu.dma_semaphore, #tpu.memory_space<semaphore_mem>>, %arg15: memref<!tpu.dma_semaphore, #tpu.memory_space<semaphore_mem>>, %arg16: memref<!tpu.dma_semaphore, #tpu.memory_space<semaphore_mem>>) attributes {dimension_semantics = [#tpu.dimension_semantics<core_parallel>, #tpu.dimension_semantics<subcore_parallel>], iteration_bounds = array<i64: 2, 16>, scalar_prefetch = 0 : i64, scratch_operands = 12 : i64, tpu.core_type = #tpu.core_type<sc_vector_subcore>, window_params = [{transform_indices = #map}, {transform_indices = #map1}, {transform_indices = #map2}]} {
    %mul3A = arith.constant 2 : i32
    %mul3A_0 = arith.muli %arg1, %mul3A : i32
    %add3A = arith.addi %mul3A_0, %arg0 : i32
    %mul3A_1 = arith.constant 50 : i32
    %mul3A_2 = arith.muli %add3A, %mul3A_1 : i32
    %iota3A = tpu.iota {dimensions = array<i32: 0>} : vector<16xi32>
    %add3A_3 = arith.constant 0 : i32
    %add3A_4 = arith.addi %mul3A_2, %add3A_3 : i32
    %mul3A_5 = arith.constant 512 : i32
    %mul3A_6 = arith.muli %add3A_4, %mul3A_5 : i32
    %dma_start3A = tpu.memref_slice %arg2[%mul3A_6] : memref<819200xi32, #tpu.memory_space<hbm>> -> memref<512xi32, #tpu.memory_space<hbm>>
    %dma_start3A_7 = tpu.memref_slice %arg2[%mul3A_6] : memref<819200xi32, #tpu.memory_space<hbm>> -> memref<512xi32, #tpu.memory_space<hbm>>
    tpu.enqueue_dma source(%dma_start3A_7 : memref<512xi32, #tpu.memory_space<hbm>>) target(%arg5 : memref<512xi32, #tpu.memory_space<vmem>>) target_semaphore(%arg15 : memref<!tpu.dma_semaphore, #tpu.memory_space<semaphore_mem>>)
    %dma_wait3A = arith.constant 0 : i32
    %dma_wait3A_8 = tpu.memref_slice %arg2[%dma_wait3A] : memref<819200xi32, #tpu.memory_space<hbm>> -> memref<512xi32, #tpu.memory_space<hbm>>
    %dma_wait3A_9 = arith.constant 0 : i32
    %dma_wait3A_10 = tpu.memref_slice %arg2[%dma_wait3A_9] : memref<819200xi32, #tpu.memory_space<hbm>> -> memref<512xi32, #tpu.memory_space<hbm>>
    tpu.wait_dma2 semaphore(%arg15 : memref<!tpu.dma_semaphore, #tpu.memory_space<semaphore_mem>>) src(%dma_wait3A_10 : memref<512xi32, #tpu.memory_space<hbm>>) dst(%arg5 : memref<512xi32, #tpu.memory_space<vmem>>)
    %dma_start3A_11 = arith.constant 0 : i32
    %dma_start3A_12 = arith.constant 0 : i32
    %dma_start3A_13 = tpu.memref_slice %arg3[%dma_start3A_11, %dma_start3A_12] : memref<1000000x32xf32, #tpu.memory_space<hbm>> -> memref<1000000x32xf32, #tpu.memory_space<hbm>>
    tpu.enqueue_indirect_dma source(%dma_start3A_13 : memref<1000000x32xf32, #tpu.memory_space<hbm>>) target(%arg7 : memref<512x32xf32, #tpu.memory_space<vmem>>) offsets(%arg5 : memref<512xi32, #tpu.memory_space<vmem>>) semaphore(%arg11 : memref<!tpu.dma_semaphore, #tpu.memory_space<semaphore_mem>>)
    %add3A_14 = arith.constant 1 : i32
    %add3A_15 = arith.addi %mul3A_2, %add3A_14 : i32
    %mul3A_16 = arith.constant 512 : i32
    %mul3A_17 = arith.muli %add3A_15, %mul3A_16 : i32
    %dma_start3A_18 = tpu.memref_slice %arg2[%mul3A_17] : memref<819200xi32, #tpu.memory_space<hbm>> -> memref<512xi32, #tpu.memory_space<hbm>>
    %dma_start3A_19 = tpu.memref_slice %arg2[%mul3A_17] : memref<819200xi32, #tpu.memory_space<hbm>> -> memref<512xi32, #tpu.memory_space<hbm>>
    tpu.enqueue_dma source(%dma_start3A_19 : memref<512xi32, #tpu.memory_space<hbm>>) target(%arg6 : memref<512xi32, #tpu.memory_space<vmem>>) target_semaphore(%arg16 : memref<!tpu.dma_semaphore, #tpu.memory_space<semaphore_mem>>)
    %scan3A = arith.constant 0 : i32
    %scan3A_20 = arith.constant 0 : i32
    %scan3A_21 = arith.constant 25 : i32
    %scan3A_22 = arith.addi %scan3A_20, %scan3A_21 : i32
    %scan3A_23 = arith.constant 1 : i32
    scf.for %scan3A_47 = %scan3A_20 to %scan3A_22 step %scan3A_23  : i32 {
      %mul3A_48 = arith.constant 2 : i32
      %mul3A_49 = arith.muli %scan3A_47, %mul3A_48 : i32
      %add3A_50 = arith.constant 0 : i32
      %add3A_51 = arith.addi %mul3A_49, %add3A_50 : i32
      %add3A_52 = arith.addi %mul3A_2, %add3A_51 : i32
      %dma_wait3A_53 = arith.constant 0 : i32
      %dma_wait3A_54 = tpu.memref_slice %arg2[%dma_wait3A_53] : memref<819200xi32, #tpu.memory_space<hbm>> -> memref<512xi32, #tpu.memory_space<hbm>>
      %dma_wait3A_55 = arith.constant 0 : i32
      %dma_wait3A_56 = tpu.memref_slice %arg2[%dma_wait3A_55] : memref<819200xi32, #tpu.memory_space<hbm>> -> memref<512xi32, #tpu.memory_space<hbm>>
      tpu.wait_dma2 semaphore(%arg16 : memref<!tpu.dma_semaphore, #tpu.memory_space<semaphore_mem>>) src(%dma_wait3A_56 : memref<512xi32, #tpu.memory_space<hbm>>) dst(%arg6 : memref<512xi32, #tpu.memory_space<vmem>>)
      %dma_start3A_57 = arith.constant 0 : i32
      %dma_start3A_58 = arith.constant 0 : i32
      %dma_start3A_59 = tpu.memref_slice %arg3[%dma_start3A_57, %dma_start3A_58] : memref<1000000x32xf32, #tpu.memory_space<hbm>> -> memref<1000000x32xf32, #tpu.memory_space<hbm>>
      tpu.enqueue_indirect_dma source(%dma_start3A_59 : memref<1000000x32xf32, #tpu.memory_space<hbm>>) target(%arg8 : memref<512x32xf32, #tpu.memory_space<vmem>>) offsets(%arg6 : memref<512xi32, #tpu.memory_space<vmem>>) semaphore(%arg12 : memref<!tpu.dma_semaphore, #tpu.memory_space<semaphore_mem>>)
      %dma_wait3A_60 = arith.constant 0 : i32
      %dma_wait3A_61 = arith.constant 0 : i32
      %dma_wait3A_62 = tpu.memref_slice %arg3[%dma_wait3A_60, %dma_wait3A_61] : memref<1000000x32xf32, #tpu.memory_space<hbm>> -> memref<1000000x32xf32, #tpu.memory_space<hbm>>
      tpu.wait_indirect_dma semaphore(%arg11 : memref<!tpu.dma_semaphore, #tpu.memory_space<semaphore_mem>>) src(%dma_wait3A_62 : memref<1000000x32xf32, #tpu.memory_space<hbm>>) dst(%arg7 : memref<512x32xf32, #tpu.memory_space<vmem>>)
      %lt3A = arith.constant 24 : i32
      %lt3A_63 = arith.cmpi slt, %scan3A_47, %lt3A : i32
      %add3A_64 = arith.constant 2 : i32
      %add3A_65 = arith.addi %add3A_51, %add3A_64 : i32
      %convert_element_type3A = arith.extui %lt3A_63 : i1 to i32
      %cond3A = arith.constant 0 : i32
      %cond3A_66 = arith.cmpi ne, %convert_element_type3A, %cond3A : i32
      scf.if %cond3A_66 {
        %add3A_134 = arith.addi %mul3A_2, %add3A_65 : i32
        %mul3A_135 = arith.constant 512 : i32
        %mul3A_136 = arith.muli %add3A_134, %mul3A_135 : i32
        %dma_start3A_137 = tpu.memref_slice %arg2[%mul3A_136] : memref<819200xi32, #tpu.memory_space<hbm>> -> memref<512xi32, #tpu.memory_space<hbm>>
        %dma_start3A_138 = tpu.memref_slice %arg2[%mul3A_136] : memref<819200xi32, #tpu.memory_space<hbm>> -> memref<512xi32, #tpu.memory_space<hbm>>
        tpu.enqueue_dma source(%dma_start3A_138 : memref<512xi32, #tpu.memory_space<hbm>>) target(%arg5 : memref<512xi32, #tpu.memory_space<vmem>>) target_semaphore(%arg15 : memref<!tpu.dma_semaphore, #tpu.memory_space<semaphore_mem>>)
      } else {
      }
      %gt3A = arith.constant 0 : i32
      %gt3A_67 = arith.cmpi sgt, %scan3A_47, %gt3A : i32
      %convert_element_type3A_68 = arith.extui %gt3A_67 : i1 to i32
      %cond3A_69 = arith.constant 0 : i32
      %cond3A_70 = arith.cmpi ne, %convert_element_type3A_68, %cond3A_69 : i32
      scf.if %cond3A_70 {
        %dma_wait3A_134 = arith.constant 0 : i32
        %dma_wait3A_135 = arith.constant 0 : i32
        %dma_wait3A_136 = arith.constant 0 : i32
        %dma_wait3A_137 = arith.constant 0 : i32
        %dma_wait3A_138 = tpu.memref_slice %arg4[%dma_wait3A_134, %dma_wait3A_135, %dma_wait3A_136, %dma_wait3A_137] : memref<200x32x32x128xf32, #tpu.memory_space<hbm>> -> memref<1x32x4x128xf32, #tpu.memory_space<hbm>>
        %dma_wait3A_139 = tpu.memref_squeeze %dma_wait3A_138 : memref<1x32x4x128xf32, #tpu.memory_space<hbm>> -> memref<32x4x128xf32, #tpu.memory_space<hbm>>
        %dma_wait3A_140 = arith.constant 0 : i32
        %dma_wait3A_141 = arith.constant 0 : i32
        %dma_wait3A_142 = arith.constant 0 : i32
        %dma_wait3A_143 = tpu.memref_slice %arg4[%dma_wait3A_134, %dma_wait3A_140, %dma_wait3A_141, %dma_wait3A_142] : memref<200x32x32x128xf32, #tpu.memory_space<hbm>> -> memref<1x32x4x128xf32, #tpu.memory_space<hbm>>
        %dma_wait3A_144 = tpu.memref_squeeze %dma_wait3A_143 : memref<1x32x4x128xf32, #tpu.memory_space<hbm>> -> memref<32x4x128xf32, #tpu.memory_space<hbm>>
        tpu.wait_dma2 semaphore(%arg13 : memref<!tpu.dma_semaphore, #tpu.memory_space<semaphore_mem>>) src(%arg9 : memref<32x4x128xf32, #tpu.memory_space<vmem>>) dst(%dma_wait3A_144 : memref<32x4x128xf32, #tpu.memory_space<hbm>>)
      } else {
      }
      %scan3A_71 = arith.constant 0 : i32
      %scan3A_72 = arith.constant 0 : i32
      %scan3A_73 = arith.constant 32 : i32
      %scan3A_74 = arith.addi %scan3A_72, %scan3A_73 : i32
      %scan3A_75 = arith.constant 1 : i32
      scf.for %scan3A_134 = %scan3A_72 to %scan3A_74 step %scan3A_75  : i32 {
        %mul3A_135 = arith.constant 16 : i32
        %mul3A_136 = arith.muli %scan3A_134, %mul3A_135 : i32
        %add3A_137 = vector.broadcast %mul3A_136 : i32 to vector<16xi32>
        %add3A_138 = arith.addi %add3A_137, %iota3A : vector<16xi32>
        %shift_right_logical3A_139 = arith.constant 3 : i32
        %shift_right_logical3A_140 = arith.shrui %scan3A_134, %shift_right_logical3A_139 : i32
        %broadcast_in_dim3A = arith.constant 0 : i32
        %broadcast_in_dim3A_141 = vector.broadcast %broadcast_in_dim3A : i32 to vector<16xi32>
        %add3A_142 = vector.broadcast %shift_right_logical3A_140 : i32 to vector<16xi32>
        %add3A_143 = arith.addi %broadcast_in_dim3A_141, %add3A_142 : vector<16xi32>
        %and3A_144 = arith.constant 7 : i32
        %and3A_145 = arith.andi %scan3A_134, %and3A_144 : i32
        %mul3A_146 = arith.constant 16 : i32
        %mul3A_147 = arith.muli %and3A_145, %mul3A_146 : i32
        %add3A_148 = vector.broadcast %mul3A_147 : i32 to vector<16xi32>
        %add3A_149 = arith.addi %add3A_148, %iota3A : vector<16xi32>
        %add3A_150 = arith.constant 0 : i32
        %add3A_151 = vector.broadcast %add3A_150 : i32 to vector<16xi32>
        %add3A_152 = arith.addi %iota3A, %add3A_151 : vector<16xi32>
        %and3A_153 = arith.constant 15 : i32
        %and3A_154 = vector.broadcast %and3A_153 : i32 to vector<16xi32>
        %and3A_155 = arith.andi %add3A_152, %and3A_154 : vector<16xi32>
        %add3A_156 = arith.constant 0 : i32
        %add3A_157 = vector.broadcast %add3A_156 : i32 to vector<16xi32>
        %add3A_158 = arith.addi %add3A_157, %and3A_155 : vector<16xi32>
        %gather3A = tpu.vector_load_idx %arg7[%add3A_138, %add3A_158] : memref<512x32xf32, #tpu.memory_space<vmem>>[vector<16xi32>, vector<16xi32>], vector<16xf32>,
        tpu.vector_store_idx %arg9[%add3A_158, %add3A_143, %add3A_149], %gather3A : memref<32x4x128xf32, #tpu.memory_space<vmem>>[vector<16xi32>, vector<16xi32>, vector<16xi32>], vector<16xf32>,
        %add3A_159 = arith.constant 1 : i32
        %add3A_160 = vector.broadcast %add3A_159 : i32 to vector<16xi32>
        %add3A_161 = arith.addi %iota3A, %add3A_160 : vector<16xi32>
        %and3A_162 = arith.constant 15 : i32
        %and3A_163 = vector.broadcast %and3A_162 : i32 to vector<16xi32>
        %and3A_164 = arith.andi %add3A_161, %and3A_163 : vector<16xi32>
        %add3A_165 = arith.constant 0 : i32
        %add3A_166 = vector.broadcast %add3A_165 : i32 to vector<16xi32>
        %add3A_167 = arith.addi %add3A_166, %and3A_164 : vector<16xi32>
        %gather3A_168 = tpu.vector_load_idx %arg7[%add3A_138, %add3A_167] : memref<512x32xf32, #tpu.memory_space<vmem>>[vector<16xi32>, vector<16xi32>], vector<16xf32>,
        tpu.vector_store_idx %arg9[%add3A_167, %add3A_143, %add3A_149], %gather3A_168 : memref<32x4x128xf32, #tpu.memory_space<vmem>>[vector<16xi32>, vector<16xi32>, vector<16xi32>], vector<16xf32>,
        %add3A_169 = arith.constant 2 : i32
        %add3A_170 = vector.broadcast %add3A_169 : i32 to vector<16xi32>
        %add3A_171 = arith.addi %iota3A, %add3A_170 : vector<16xi32>
        %and3A_172 = arith.constant 15 : i32
        %and3A_173 = vector.broadcast %and3A_172 : i32 to vector<16xi32>
        %and3A_174 = arith.andi %add3A_171, %and3A_173 : vector<16xi32>
        %add3A_175 = arith.constant 0 : i32
        %add3A_176 = vector.broadcast %add3A_175 : i32 to vector<16xi32>
        %add3A_177 = arith.addi %add3A_176, %and3A_174 : vector<16xi32>
        %gather3A_178 = tpu.vector_load_idx %arg7[%add3A_138, %add3A_177] : memref<512x32xf32, #tpu.memory_space<vmem>>[vector<16xi32>, vector<16xi32>], vector<16xf32>,
        tpu.vector_store_idx %arg9[%add3A_177, %add3A_143, %add3A_149], %gather3A_178 : memref<32x4x128xf32, #tpu.memory_space<vmem>>[vector<16xi32>, vector<16xi32>, vector<16xi32>], vector<16xf32>,
        %add3A_179 = arith.constant 3 : i32
        %add3A_180 = vector.broadcast %add3A_179 : i32 to vector<16xi32>
        %add3A_181 = arith.addi %iota3A, %add3A_180 : vector<16xi32>
        %and3A_182 = arith.constant 15 : i32
        %and3A_183 = vector.broadcast %and3A_182 : i32 to vector<16xi32>
        %and3A_184 = arith.andi %add3A_181, %and3A_183 : vector<16xi32>
        %add3A_185 = arith.constant 0 : i32
        %add3A_186 = vector.broadcast %add3A_185 : i32 to vector<16xi32>
        %add3A_187 = arith.addi %add3A_186, %and3A_184 : vector<16xi32>
        %gather3A_188 = tpu.vector_load_idx %arg7[%add3A_138, %add3A_187] : memref<512x32xf32, #tpu.memory_space<vmem>>[vector<16xi32>, vector<16xi32>], vector<16xf32>,
        tpu.vector_store_idx %arg9[%add3A_187, %add3A_143, %add3A_149], %gather3A_188 : memref<32x4x128xf32, #tpu.memory_space<vmem>>[vector<16xi32>, vector<16xi32>, vector<16xi32>], vector<16xf32>,
        %add3A_189 = arith.constant 4 : i32
        %add3A_190 = vector.broadcast %add3A_189 : i32 to vector<16xi32>
        %add3A_191 = arith.addi %iota3A, %add3A_190 : vector<16xi32>
        %and3A_192 = arith.constant 15 : i32
        %and3A_193 = vector.broadcast %and3A_192 : i32 to vector<16xi32>
        %and3A_194 = arith.andi %add3A_191, %and3A_193 : vector<16xi32>
        %add3A_195 = arith.constant 0 : i32
        %add3A_196 = vector.broadcast %add3A_195 : i32 to vector<16xi32>
        %add3A_197 = arith.addi %add3A_196, %and3A_194 : vector<16xi32>
        %gather3A_198 = tpu.vector_load_idx %arg7[%add3A_138, %add3A_197] : memref<512x32xf32, #tpu.memory_space<vmem>>[vector<16xi32>, vector<16xi32>], vector<16xf32>,
        tpu.vector_store_idx %arg9[%add3A_197, %add3A_143, %add3A_149], %gather3A_198 : memref<32x4x128xf32, #tpu.memory_space<vmem>>[vector<16xi32>, vector<16xi32>, vector<16xi32>], vector<16xf32>,
        %add3A_199 = arith.constant 5 : i32
        %add3A_200 = vector.broadcast %add3A_199 : i32 to vector<16xi32>
        %add3A_201 = arith.addi %iota3A, %add3A_200 : vector<16xi32>
        %and3A_202 = arith.constant 15 : i32
        %and3A_203 = vector.broadcast %and3A_202 : i32 to vector<16xi32>
        %and3A_204 = arith.andi %add3A_201, %and3A_203 : vector<16xi32>
        %add3A_205 = arith.constant 0 : i32
        %add3A_206 = vector.broadcast %add3A_205 : i32 to vector<16xi32>
        %add3A_207 = arith.addi %add3A_206, %and3A_204 : vector<16xi32>
        %gather3A_208 = tpu.vector_load_idx %arg7[%add3A_138, %add3A_207] : memref<512x32xf32, #tpu.memory_space<vmem>>[vector<16xi32>, vector<16xi32>], vector<16xf32>,
        tpu.vector_store_idx %arg9[%add3A_207, %add3A_143, %add3A_149], %gather3A_208 : memref<32x4x128xf32, #tpu.memory_space<vmem>>[vector<16xi32>, vector<16xi32>, vector<16xi32>], vector<16xf32>,
        %add3A_209 = arith.constant 6 : i32
        %add3A_210 = vector.broadcast %add3A_209 : i32 to vector<16xi32>
        %add3A_211 = arith.addi %iota3A, %add3A_210 : vector<16xi32>
        %and3A_212 = arith.constant 15 : i32
        %and3A_213 = vector.broadcast %and3A_212 : i32 to vector<16xi32>
        %and3A_214 = arith.andi %add3A_211, %and3A_213 : vector<16xi32>
        %add3A_215 = arith.constant 0 : i32
        %add3A_216 = vector.broadcast %add3A_215 : i32 to vector<16xi32>
        %add3A_217 = arith.addi %add3A_216, %and3A_214 : vector<16xi32>
        %gather3A_218 = tpu.vector_load_idx %arg7[%add3A_138, %add3A_217] : memref<512x32xf32, #tpu.memory_space<vmem>>[vector<16xi32>, vector<16xi32>], vector<16xf32>,
        tpu.vector_store_idx %arg9[%add3A_217, %add3A_143, %add3A_149], %gather3A_218 : memref<32x4x128xf32, #tpu.memory_space<vmem>>[vector<16xi32>, vector<16xi32>, vector<16xi32>], vector<16xf32>,
        %add3A_219 = arith.constant 7 : i32
        %add3A_220 = vector.broadcast %add3A_219 : i32 to vector<16xi32>
        %add3A_221 = arith.addi %iota3A, %add3A_220 : vector<16xi32>
        %and3A_222 = arith.constant 15 : i32
        %and3A_223 = vector.broadcast %and3A_222 : i32 to vector<16xi32>
        %and3A_224 = arith.andi %add3A_221, %and3A_223 : vector<16xi32>
        %add3A_225 = arith.constant 0 : i32
        %add3A_226 = vector.broadcast %add3A_225 : i32 to vector<16xi32>
        %add3A_227 = arith.addi %add3A_226, %and3A_224 : vector<16xi32>
        %gather3A_228 = tpu.vector_load_idx %arg7[%add3A_138, %add3A_227] : memref<512x32xf32, #tpu.memory_space<vmem>>[vector<16xi32>, vector<16xi32>], vector<16xf32>,
        tpu.vector_store_idx %arg9[%add3A_227, %add3A_143, %add3A_149], %gather3A_228 : memref<32x4x128xf32, #tpu.memory_space<vmem>>[vector<16xi32>, vector<16xi32>, vector<16xi32>], vector<16xf32>,
        %add3A_229 = arith.constant 8 : i32
        %add3A_230 = vector.broadcast %add3A_229 : i32 to vector<16xi32>
        %add3A_231 = arith.addi %iota3A, %add3A_230 : vector<16xi32>
        %and3A_232 = arith.constant 15 : i32
        %and3A_233 = vector.broadcast %and3A_232 : i32 to vector<16xi32>
        %and3A_234 = arith.andi %add3A_231, %and3A_233 : vector<16xi32>
        %add3A_235 = arith.constant 0 : i32
        %add3A_236 = vector.broadcast %add3A_235 : i32 to vector<16xi32>
        %add3A_237 = arith.addi %add3A_236, %and3A_234 : vector<16xi32>
        %gather3A_238 = tpu.vector_load_idx %arg7[%add3A_138, %add3A_237] : memref<512x32xf32, #tpu.memory_space<vmem>>[vector<16xi32>, vector<16xi32>], vector<16xf32>,
        tpu.vector_store_idx %arg9[%add3A_237, %add3A_143, %add3A_149], %gather3A_238 : memref<32x4x128xf32, #tpu.memory_space<vmem>>[vector<16xi32>, vector<16xi32>, vector<16xi32>], vector<16xf32>,
        %add3A_239 = arith.constant 9 : i32
        %add3A_240 = vector.broadcast %add3A_239 : i32 to vector<16xi32>
        %add3A_241 = arith.addi %iota3A, %add3A_240 : vector<16xi32>
        %and3A_242 = arith.constant 15 : i32
        %and3A_243 = vector.broadcast %and3A_242 : i32 to vector<16xi32>
        %and3A_244 = arith.andi %add3A_241, %and3A_243 : vector<16xi32>
        %add3A_245 = arith.constant 0 : i32
        %add3A_246 = vector.broadcast %add3A_245 : i32 to vector<16xi32>
        %add3A_247 = arith.addi %add3A_246, %and3A_244 : vector<16xi32>
        %gather3A_248 = tpu.vector_load_idx %arg7[%add3A_138, %add3A_247] : memref<512x32xf32, #tpu.memory_space<vmem>>[vector<16xi32>, vector<16xi32>], vector<16xf32>,
        tpu.vector_store_idx %arg9[%add3A_247, %add3A_143, %add3A_149], %gather3A_248 : memref<32x4x128xf32, #tpu.memory_space<vmem>>[vector<16xi32>, vector<16xi32>, vector<16xi32>], vector<16xf32>,
        %add3A_249 = arith.constant 10 : i32
        %add3A_250 = vector.broadcast %add3A_249 : i32 to vector<16xi32>
        %add3A_251 = arith.addi %iota3A, %add3A_250 : vector<16xi32>
        %and3A_252 = arith.constant 15 : i32
        %and3A_253 = vector.broadcast %and3A_252 : i32 to vector<16xi32>
        %and3A_254 = arith.andi %add3A_251, %and3A_253 : vector<16xi32>
        %add3A_255 = arith.constant 0 : i32
        %add3A_256 = vector.broadcast %add3A_255 : i32 to vector<16xi32>
        %add3A_257 = arith.addi %add3A_256, %and3A_254 : vector<16xi32>
        %gather3A_258 = tpu.vector_load_idx %arg7[%add3A_138, %add3A_257] : memref<512x32xf32, #tpu.memory_space<vmem>>[vector<16xi32>, vector<16xi32>], vector<16xf32>,
        tpu.vector_store_idx %arg9[%add3A_257, %add3A_143, %add3A_149], %gather3A_258 : memref<32x4x128xf32, #tpu.memory_space<vmem>>[vector<16xi32>, vector<16xi32>, vector<16xi32>], vector<16xf32>,
        %add3A_259 = arith.constant 11 : i32
        %add3A_260 = vector.broadcast %add3A_259 : i32 to vector<16xi32>
        %add3A_261 = arith.addi %iota3A, %add3A_260 : vector<16xi32>
        %and3A_262 = arith.constant 15 : i32
        %and3A_263 = vector.broadcast %and3A_262 : i32 to vector<16xi32>
        %and3A_264 = arith.andi %add3A_261, %and3A_263 : vector<16xi32>
        %add3A_265 = arith.constant 0 : i32
        %add3A_266 = vector.broadcast %add3A_265 : i32 to vector<16xi32>
        %add3A_267 = arith.addi %add3A_266, %and3A_264 : vector<16xi32>
        %gather3A_268 = tpu.vector_load_idx %arg7[%add3A_138, %add3A_267] : memref<512x32xf32, #tpu.memory_space<vmem>>[vector<16xi32>, vector<16xi32>], vector<16xf32>,
        tpu.vector_store_idx %arg9[%add3A_267, %add3A_143, %add3A_149], %gather3A_268 : memref<32x4x128xf32, #tpu.memory_space<vmem>>[vector<16xi32>, vector<16xi32>, vector<16xi32>], vector<16xf32>,
        %add3A_269 = arith.constant 12 : i32
        %add3A_270 = vector.broadcast %add3A_269 : i32 to vector<16xi32>
        %add3A_271 = arith.addi %iota3A, %add3A_270 : vector<16xi32>
        %and3A_272 = arith.constant 15 : i32
        %and3A_273 = vector.broadcast %and3A_272 : i32 to vector<16xi32>
        %and3A_274 = arith.andi %add3A_271, %and3A_273 : vector<16xi32>
        %add3A_275 = arith.constant 0 : i32
        %add3A_276 = vector.broadcast %add3A_275 : i32 to vector<16xi32>
        %add3A_277 = arith.addi %add3A_276, %and3A_274 : vector<16xi32>
        %gather3A_278 = tpu.vector_load_idx %arg7[%add3A_138, %add3A_277] : memref<512x32xf32, #tpu.memory_space<vmem>>[vector<16xi32>, vector<16xi32>], vector<16xf32>,
        tpu.vector_store_idx %arg9[%add3A_277, %add3A_143, %add3A_149], %gather3A_278 : memref<32x4x128xf32, #tpu.memory_space<vmem>>[vector<16xi32>, vector<16xi32>, vector<16xi32>], vector<16xf32>,
        %add3A_279 = arith.constant 13 : i32
        %add3A_280 = vector.broadcast %add3A_279 : i32 to vector<16xi32>
        %add3A_281 = arith.addi %iota3A, %add3A_280 : vector<16xi32>
        %and3A_282 = arith.constant 15 : i32
        %and3A_283 = vector.broadcast %and3A_282 : i32 to vector<16xi32>
        %and3A_284 = arith.andi %add3A_281, %and3A_283 : vector<16xi32>
        %add3A_285 = arith.constant 0 : i32
        %add3A_286 = vector.broadcast %add3A_285 : i32 to vector<16xi32>
        %add3A_287 = arith.addi %add3A_286, %and3A_284 : vector<16xi32>
        %gather3A_288 = tpu.vector_load_idx %arg7[%add3A_138, %add3A_287] : memref<512x32xf32, #tpu.memory_space<vmem>>[vector<16xi32>, vector<16xi32>], vector<16xf32>,
        tpu.vector_store_idx %arg9[%add3A_287, %add3A_143, %add3A_149], %gather3A_288 : memref<32x4x128xf32, #tpu.memory_space<vmem>>[vector<16xi32>, vector<16xi32>, vector<16xi32>], vector<16xf32>,
        %add3A_289 = arith.constant 14 : i32
        %add3A_290 = vector.broadcast %add3A_289 : i32 to vector<16xi32>
        %add3A_291 = arith.addi %iota3A, %add3A_290 : vector<16xi32>
        %and3A_292 = arith.constant 15 : i32
        %and3A_293 = vector.broadcast %and3A_292 : i32 to vector<16xi32>
        %and3A_294 = arith.andi %add3A_291, %and3A_293 : vector<16xi32>
        %add3A_295 = arith.constant 0 : i32
        %add3A_296 = vector.broadcast %add3A_295 : i32 to vector<16xi32>
        %add3A_297 = arith.addi %add3A_296, %and3A_294 : vector<16xi32>
        %gather3A_298 = tpu.vector_load_idx %arg7[%add3A_138, %add3A_297] : memref<512x32xf32, #tpu.memory_space<vmem>>[vector<16xi32>, vector<16xi32>], vector<16xf32>,
        tpu.vector_store_idx %arg9[%add3A_297, %add3A_143, %add3A_149], %gather3A_298 : memref<32x4x128xf32, #tpu.memory_space<vmem>>[vector<16xi32>, vector<16xi32>, vector<16xi32>], vector<16xf32>,
        %add3A_299 = arith.constant 15 : i32
        %add3A_300 = vector.broadcast %add3A_299 : i32 to vector<16xi32>
        %add3A_301 = arith.addi %iota3A, %add3A_300 : vector<16xi32>
        %and3A_302 = arith.constant 15 : i32
        %and3A_303 = vector.broadcast %and3A_302 : i32 to vector<16xi32>
        %and3A_304 = arith.andi %add3A_301, %and3A_303 : vector<16xi32>
        %add3A_305 = arith.constant 0 : i32
        %add3A_306 = vector.broadcast %add3A_305 : i32 to vector<16xi32>
        %add3A_307 = arith.addi %add3A_306, %and3A_304 : vector<16xi32>
        %gather3A_308 = tpu.vector_load_idx %arg7[%add3A_138, %add3A_307] : memref<512x32xf32, #tpu.memory_space<vmem>>[vector<16xi32>, vector<16xi32>], vector<16xf32>,
        tpu.vector_store_idx %arg9[%add3A_307, %add3A_143, %add3A_149], %gather3A_308 : memref<32x4x128xf32, #tpu.memory_space<vmem>>[vector<16xi32>, vector<16xi32>, vector<16xi32>], vector<16xf32>,
        %add3A_309 = arith.constant 0 : i32
        %add3A_310 = vector.broadcast %add3A_309 : i32 to vector<16xi32>
        %add3A_311 = arith.addi %iota3A, %add3A_310 : vector<16xi32>
        %and3A_312 = arith.constant 15 : i32
        %and3A_313 = vector.broadcast %and3A_312 : i32 to vector<16xi32>
        %and3A_314 = arith.andi %add3A_311, %and3A_313 : vector<16xi32>
        %add3A_315 = arith.constant 16 : i32
        %add3A_316 = vector.broadcast %add3A_315 : i32 to vector<16xi32>
        %add3A_317 = arith.addi %add3A_316, %and3A_314 : vector<16xi32>
        %gather3A_318 = tpu.vector_load_idx %arg7[%add3A_138, %add3A_317] : memref<512x32xf32, #tpu.memory_space<vmem>>[vector<16xi32>, vector<16xi32>], vector<16xf32>,
        tpu.vector_store_idx %arg9[%add3A_317, %add3A_143, %add3A_149], %gather3A_318 : memref<32x4x128xf32, #tpu.memory_space<vmem>>[vector<16xi32>, vector<16xi32>, vector<16xi32>], vector<16xf32>,
        %add3A_319 = arith.constant 1 : i32
        %add3A_320 = vector.broadcast %add3A_319 : i32 to vector<16xi32>
        %add3A_321 = arith.addi %iota3A, %add3A_320 : vector<16xi32>
        %and3A_322 = arith.constant 15 : i32
        %and3A_323 = vector.broadcast %and3A_322 : i32 to vector<16xi32>
        %and3A_324 = arith.andi %add3A_321, %and3A_323 : vector<16xi32>
        %add3A_325 = arith.constant 16 : i32
        %add3A_326 = vector.broadcast %add3A_325 : i32 to vector<16xi32>
        %add3A_327 = arith.addi %add3A_326, %and3A_324 : vector<16xi32>
        %gather3A_328 = tpu.vector_load_idx %arg7[%add3A_138, %add3A_327] : memref<512x32xf32, #tpu.memory_space<vmem>>[vector<16xi32>, vector<16xi32>], vector<16xf32>,
        tpu.vector_store_idx %arg9[%add3A_327, %add3A_143, %add3A_149], %gather3A_328 : memref<32x4x128xf32, #tpu.memory_space<vmem>>[vector<16xi32>, vector<16xi32>, vector<16xi32>], vector<16xf32>,
        %add3A_329 = arith.constant 2 : i32
        %add3A_330 = vector.broadcast %add3A_329 : i32 to vector<16xi32>
        %add3A_331 = arith.addi %iota3A, %add3A_330 : vector<16xi32>
        %and3A_332 = arith.constant 15 : i32
        %and3A_333 = vector.broadcast %and3A_332 : i32 to vector<16xi32>
        %and3A_334 = arith.andi %add3A_331, %and3A_333 : vector<16xi32>
        %add3A_335 = arith.constant 16 : i32
        %add3A_336 = vector.broadcast %add3A_335 : i32 to vector<16xi32>
        %add3A_337 = arith.addi %add3A_336, %and3A_334 : vector<16xi32>
        %gather3A_338 = tpu.vector_load_idx %arg7[%add3A_138, %add3A_337] : memref<512x32xf32, #tpu.memory_space<vmem>>[vector<16xi32>, vector<16xi32>], vector<16xf32>,
        tpu.vector_store_idx %arg9[%add3A_337, %add3A_143, %add3A_149], %gather3A_338 : memref<32x4x128xf32, #tpu.memory_space<vmem>>[vector<16xi32>, vector<16xi32>, vector<16xi32>], vector<16xf32>,
        %add3A_339 = arith.constant 3 : i32
        %add3A_340 = vector.broadcast %add3A_339 : i32 to vector<16xi32>
        %add3A_341 = arith.addi %iota3A, %add3A_340 : vector<16xi32>
        %and3A_342 = arith.constant 15 : i32
        %and3A_343 = vector.broadcast %and3A_342 : i32 to vector<16xi32>
        %and3A_344 = arith.andi %add3A_341, %and3A_343 : vector<16xi32>
        %add3A_345 = arith.constant 16 : i32
        %add3A_346 = vector.broadcast %add3A_345 : i32 to vector<16xi32>
        %add3A_347 = arith.addi %add3A_346, %and3A_344 : vector<16xi32>
        %gather3A_348 = tpu.vector_load_idx %arg7[%add3A_138, %add3A_347] : memref<512x32xf32, #tpu.memory_space<vmem>>[vector<16xi32>, vector<16xi32>], vector<16xf32>,
        tpu.vector_store_idx %arg9[%add3A_347, %add3A_143, %add3A_149], %gather3A_348 : memref<32x4x128xf32, #tpu.memory_space<vmem>>[vector<16xi32>, vector<16xi32>, vector<16xi32>], vector<16xf32>,
        %add3A_349 = arith.constant 4 : i32
        %add3A_350 = vector.broadcast %add3A_349 : i32 to vector<16xi32>
        %add3A_351 = arith.addi %iota3A, %add3A_350 : vector<16xi32>
        %and3A_352 = arith.constant 15 : i32
        %and3A_353 = vector.broadcast %and3A_352 : i32 to vector<16xi32>
        %and3A_354 = arith.andi %add3A_351, %and3A_353 : vector<16xi32>
        %add3A_355 = arith.constant 16 : i32
        %add3A_356 = vector.broadcast %add3A_355 : i32 to vector<16xi32>
        %add3A_357 = arith.addi %add3A_356, %and3A_354 : vector<16xi32>
        %gather3A_358 = tpu.vector_load_idx %arg7[%add3A_138, %add3A_357] : memref<512x32xf32, #tpu.memory_space<vmem>>[vector<16xi32>, vector<16xi32>], vector<16xf32>,
        tpu.vector_store_idx %arg9[%add3A_357, %add3A_143, %add3A_149], %gather3A_358 : memref<32x4x128xf32, #tpu.memory_space<vmem>>[vector<16xi32>, vector<16xi32>, vector<16xi32>], vector<16xf32>,
        %add3A_359 = arith.constant 5 : i32
        %add3A_360 = vector.broadcast %add3A_359 : i32 to vector<16xi32>
        %add3A_361 = arith.addi %iota3A, %add3A_360 : vector<16xi32>
        %and3A_362 = arith.constant 15 : i32
        %and3A_363 = vector.broadcast %and3A_362 : i32 to vector<16xi32>
        %and3A_364 = arith.andi %add3A_361, %and3A_363 : vector<16xi32>
        %add3A_365 = arith.constant 16 : i32
        %add3A_366 = vector.broadcast %add3A_365 : i32 to vector<16xi32>
        %add3A_367 = arith.addi %add3A_366, %and3A_364 : vector<16xi32>
        %gather3A_368 = tpu.vector_load_idx %arg7[%add3A_138, %add3A_367] : memref<512x32xf32, #tpu.memory_space<vmem>>[vector<16xi32>, vector<16xi32>], vector<16xf32>,
        tpu.vector_store_idx %arg9[%add3A_367, %add3A_143, %add3A_149], %gather3A_368 : memref<32x4x128xf32, #tpu.memory_space<vmem>>[vector<16xi32>, vector<16xi32>, vector<16xi32>], vector<16xf32>,
        %add3A_369 = arith.constant 6 : i32
        %add3A_370 = vector.broadcast %add3A_369 : i32 to vector<16xi32>
        %add3A_371 = arith.addi %iota3A, %add3A_370 : vector<16xi32>
        %and3A_372 = arith.constant 15 : i32
        %and3A_373 = vector.broadcast %and3A_372 : i32 to vector<16xi32>
        %and3A_374 = arith.andi %add3A_371, %and3A_373 : vector<16xi32>
        %add3A_375 = arith.constant 16 : i32
        %add3A_376 = vector.broadcast %add3A_375 : i32 to vector<16xi32>
        %add3A_377 = arith.addi %add3A_376, %and3A_374 : vector<16xi32>
        %gather3A_378 = tpu.vector_load_idx %arg7[%add3A_138, %add3A_377] : memref<512x32xf32, #tpu.memory_space<vmem>>[vector<16xi32>, vector<16xi32>], vector<16xf32>,
        tpu.vector_store_idx %arg9[%add3A_377, %add3A_143, %add3A_149], %gather3A_378 : memref<32x4x128xf32, #tpu.memory_space<vmem>>[vector<16xi32>, vector<16xi32>, vector<16xi32>], vector<16xf32>,
        %add3A_379 = arith.constant 7 : i32
        %add3A_380 = vector.broadcast %add3A_379 : i32 to vector<16xi32>
        %add3A_381 = arith.addi %iota3A, %add3A_380 : vector<16xi32>
        %and3A_382 = arith.constant 15 : i32
        %and3A_383 = vector.broadcast %and3A_382 : i32 to vector<16xi32>
        %and3A_384 = arith.andi %add3A_381, %and3A_383 : vector<16xi32>
        %add3A_385 = arith.constant 16 : i32
        %add3A_386 = vector.broadcast %add3A_385 : i32 to vector<16xi32>
        %add3A_387 = arith.addi %add3A_386, %and3A_384 : vector<16xi32>
        %gather3A_388 = tpu.vector_load_idx %arg7[%add3A_138, %add3A_387] : memref<512x32xf32, #tpu.memory_space<vmem>>[vector<16xi32>, vector<16xi32>], vector<16xf32>,
        tpu.vector_store_idx %arg9[%add3A_387, %add3A_143, %add3A_149], %gather3A_388 : memref<32x4x128xf32, #tpu.memory_space<vmem>>[vector<16xi32>, vector<16xi32>, vector<16xi32>], vector<16xf32>,
        %add3A_389 = arith.constant 8 : i32
        %add3A_390 = vector.broadcast %add3A_389 : i32 to vector<16xi32>
        %add3A_391 = arith.addi %iota3A, %add3A_390 : vector<16xi32>
        %and3A_392 = arith.constant 15 : i32
        %and3A_393 = vector.broadcast %and3A_392 : i32 to vector<16xi32>
        %and3A_394 = arith.andi %add3A_391, %and3A_393 : vector<16xi32>
        %add3A_395 = arith.constant 16 : i32
        %add3A_396 = vector.broadcast %add3A_395 : i32 to vector<16xi32>
        %add3A_397 = arith.addi %add3A_396, %and3A_394 : vector<16xi32>
        %gather3A_398 = tpu.vector_load_idx %arg7[%add3A_138, %add3A_397] : memref<512x32xf32, #tpu.memory_space<vmem>>[vector<16xi32>, vector<16xi32>], vector<16xf32>,
        tpu.vector_store_idx %arg9[%add3A_397, %add3A_143, %add3A_149], %gather3A_398 : memref<32x4x128xf32, #tpu.memory_space<vmem>>[vector<16xi32>, vector<16xi32>, vector<16xi32>], vector<16xf32>,
        %add3A_399 = arith.constant 9 : i32
        %add3A_400 = vector.broadcast %add3A_399 : i32 to vector<16xi32>
        %add3A_401 = arith.addi %iota3A, %add3A_400 : vector<16xi32>
        %and3A_402 = arith.constant 15 : i32
        %and3A_403 = vector.broadcast %and3A_402 : i32 to vector<16xi32>
        %and3A_404 = arith.andi %add3A_401, %and3A_403 : vector<16xi32>
        %add3A_405 = arith.constant 16 : i32
        %add3A_406 = vector.broadcast %add3A_405 : i32 to vector<16xi32>
        %add3A_407 = arith.addi %add3A_406, %and3A_404 : vector<16xi32>
        %gather3A_408 = tpu.vector_load_idx %arg7[%add3A_138, %add3A_407] : memref<512x32xf32, #tpu.memory_space<vmem>>[vector<16xi32>, vector<16xi32>], vector<16xf32>,
        tpu.vector_store_idx %arg9[%add3A_407, %add3A_143, %add3A_149], %gather3A_408 : memref<32x4x128xf32, #tpu.memory_space<vmem>>[vector<16xi32>, vector<16xi32>, vector<16xi32>], vector<16xf32>,
        %add3A_409 = arith.constant 10 : i32
        %add3A_410 = vector.broadcast %add3A_409 : i32 to vector<16xi32>
        %add3A_411 = arith.addi %iota3A, %add3A_410 : vector<16xi32>
        %and3A_412 = arith.constant 15 : i32
        %and3A_413 = vector.broadcast %and3A_412 : i32 to vector<16xi32>
        %and3A_414 = arith.andi %add3A_411, %and3A_413 : vector<16xi32>
        %add3A_415 = arith.constant 16 : i32
        %add3A_416 = vector.broadcast %add3A_415 : i32 to vector<16xi32>
        %add3A_417 = arith.addi %add3A_416, %and3A_414 : vector<16xi32>
        %gather3A_418 = tpu.vector_load_idx %arg7[%add3A_138, %add3A_417] : memref<512x32xf32, #tpu.memory_space<vmem>>[vector<16xi32>, vector<16xi32>], vector<16xf32>,
        tpu.vector_store_idx %arg9[%add3A_417, %add3A_143, %add3A_149], %gather3A_418 : memref<32x4x128xf32, #tpu.memory_space<vmem>>[vector<16xi32>, vector<16xi32>, vector<16xi32>], vector<16xf32>,
        %add3A_419 = arith.constant 11 : i32
        %add3A_420 = vector.broadcast %add3A_419 : i32 to vector<16xi32>
        %add3A_421 = arith.addi %iota3A, %add3A_420 : vector<16xi32>
        %and3A_422 = arith.constant 15 : i32
        %and3A_423 = vector.broadcast %and3A_422 : i32 to vector<16xi32>
        %and3A_424 = arith.andi %add3A_421, %and3A_423 : vector<16xi32>
        %add3A_425 = arith.constant 16 : i32
        %add3A_426 = vector.broadcast %add3A_425 : i32 to vector<16xi32>
        %add3A_427 = arith.addi %add3A_426, %and3A_424 : vector<16xi32>
        %gather3A_428 = tpu.vector_load_idx %arg7[%add3A_138, %add3A_427] : memref<512x32xf32, #tpu.memory_space<vmem>>[vector<16xi32>, vector<16xi32>], vector<16xf32>,
        tpu.vector_store_idx %arg9[%add3A_427, %add3A_143, %add3A_149], %gather3A_428 : memref<32x4x128xf32, #tpu.memory_space<vmem>>[vector<16xi32>, vector<16xi32>, vector<16xi32>], vector<16xf32>,
        %add3A_429 = arith.constant 12 : i32
        %add3A_430 = vector.broadcast %add3A_429 : i32 to vector<16xi32>
        %add3A_431 = arith.addi %iota3A, %add3A_430 : vector<16xi32>
        %and3A_432 = arith.constant 15 : i32
        %and3A_433 = vector.broadcast %and3A_432 : i32 to vector<16xi32>
        %and3A_434 = arith.andi %add3A_431, %and3A_433 : vector<16xi32>
        %add3A_435 = arith.constant 16 : i32
        %add3A_436 = vector.broadcast %add3A_435 : i32 to vector<16xi32>
        %add3A_437 = arith.addi %add3A_436, %and3A_434 : vector<16xi32>
        %gather3A_438 = tpu.vector_load_idx %arg7[%add3A_138, %add3A_437] : memref<512x32xf32, #tpu.memory_space<vmem>>[vector<16xi32>, vector<16xi32>], vector<16xf32>,
        tpu.vector_store_idx %arg9[%add3A_437, %add3A_143, %add3A_149], %gather3A_438 : memref<32x4x128xf32, #tpu.memory_space<vmem>>[vector<16xi32>, vector<16xi32>, vector<16xi32>], vector<16xf32>,
        %add3A_439 = arith.constant 13 : i32
        %add3A_440 = vector.broadcast %add3A_439 : i32 to vector<16xi32>
        %add3A_441 = arith.addi %iota3A, %add3A_440 : vector<16xi32>
        %and3A_442 = arith.constant 15 : i32
        %and3A_443 = vector.broadcast %and3A_442 : i32 to vector<16xi32>
        %and3A_444 = arith.andi %add3A_441, %and3A_443 : vector<16xi32>
        %add3A_445 = arith.constant 16 : i32
        %add3A_446 = vector.broadcast %add3A_445 : i32 to vector<16xi32>
        %add3A_447 = arith.addi %add3A_446, %and3A_444 : vector<16xi32>
        %gather3A_448 = tpu.vector_load_idx %arg7[%add3A_138, %add3A_447] : memref<512x32xf32, #tpu.memory_space<vmem>>[vector<16xi32>, vector<16xi32>], vector<16xf32>,
        tpu.vector_store_idx %arg9[%add3A_447, %add3A_143, %add3A_149], %gather3A_448 : memref<32x4x128xf32, #tpu.memory_space<vmem>>[vector<16xi32>, vector<16xi32>, vector<16xi32>], vector<16xf32>,
        %add3A_449 = arith.constant 14 : i32
        %add3A_450 = vector.broadcast %add3A_449 : i32 to vector<16xi32>
        %add3A_451 = arith.addi %iota3A, %add3A_450 : vector<16xi32>
        %and3A_452 = arith.constant 15 : i32
        %and3A_453 = vector.broadcast %and3A_452 : i32 to vector<16xi32>
        %and3A_454 = arith.andi %add3A_451, %and3A_453 : vector<16xi32>
        %add3A_455 = arith.constant 16 : i32
        %add3A_456 = vector.broadcast %add3A_455 : i32 to vector<16xi32>
        %add3A_457 = arith.addi %add3A_456, %and3A_454 : vector<16xi32>
        %gather3A_458 = tpu.vector_load_idx %arg7[%add3A_138, %add3A_457] : memref<512x32xf32, #tpu.memory_space<vmem>>[vector<16xi32>, vector<16xi32>], vector<16xf32>,
        tpu.vector_store_idx %arg9[%add3A_457, %add3A_143, %add3A_149], %gather3A_458 : memref<32x4x128xf32, #tpu.memory_space<vmem>>[vector<16xi32>, vector<16xi32>, vector<16xi32>], vector<16xf32>,
        %add3A_459 = arith.constant 15 : i32
        %add3A_460 = vector.broadcast %add3A_459 : i32 to vector<16xi32>
        %add3A_461 = arith.addi %iota3A, %add3A_460 : vector<16xi32>
        %and3A_462 = arith.constant 15 : i32
        %and3A_463 = vector.broadcast %and3A_462 : i32 to vector<16xi32>
        %and3A_464 = arith.andi %add3A_461, %and3A_463 : vector<16xi32>
        %add3A_465 = arith.constant 16 : i32
        %add3A_466 = vector.broadcast %add3A_465 : i32 to vector<16xi32>
        %add3A_467 = arith.addi %add3A_466, %and3A_464 : vector<16xi32>
        %gather3A_468 = tpu.vector_load_idx %arg7[%add3A_138, %add3A_467] : memref<512x32xf32, #tpu.memory_space<vmem>>[vector<16xi32>, vector<16xi32>], vector<16xf32>,
        tpu.vector_store_idx %arg9[%add3A_467, %add3A_143, %add3A_149], %gather3A_468 : memref<32x4x128xf32, #tpu.memory_space<vmem>>[vector<16xi32>, vector<16xi32>, vector<16xi32>], vector<16xf32>,
      }
      %scan3A_76 = arith.constant 32 : i32
      %shift_right_logical3A = arith.constant 3 : i32
      %shift_right_logical3A_77 = arith.shrui %add3A_52, %shift_right_logical3A : i32
      %and3A = arith.constant 7 : i32
      %and3A_78 = arith.andi %add3A_52, %and3A : i32
      %mul3A_79 = arith.constant 4 : i32
      %mul3A_80 = arith.muli %and3A_78, %mul3A_79 : i32
      %dma_start3A_81 = arith.constant 0 : i32
      %dma_start3A_82 = arith.constant 0 : i32
      %dma_start3A_83 = tpu.memref_slice %arg4[%shift_right_logical3A_77, %dma_start3A_81, %mul3A_80, %dma_start3A_82] : memref<200x32x32x128xf32, #tpu.memory_space<hbm>> -> memref<1x32x4x128xf32, #tpu.memory_space<hbm>>
      %dma_start3A_84 = tpu.memref_squeeze %dma_start3A_83 : memref<1x32x4x128xf32, #tpu.memory_space<hbm>> -> memref<32x4x128xf32, #tpu.memory_space<hbm>>
      %dma_start3A_85 = arith.constant 0 : i32
      %dma_start3A_86 = arith.constant 0 : i32
      %dma_start3A_87 = tpu.memref_slice %arg4[%shift_right_logical3A_77, %dma_start3A_85, %mul3A_80, %dma_start3A_86] : memref<200x32x32x128xf32, #tpu.memory_space<hbm>> -> memref<1x32x4x128xf32, #tpu.memory_space<hbm>>
      %dma_start3A_88 = tpu.memref_squeeze %dma_start3A_87 : memref<1x32x4x128xf32, #tpu.memory_space<hbm>> -> memref<32x4x128xf32, #tpu.memory_space<hbm>>
      tpu.enqueue_dma source(%arg9 : memref<32x4x128xf32, #tpu.memory_space<vmem>>) target(%dma_start3A_88 : memref<32x4x128xf32, #tpu.memory_space<hbm>>) target_semaphore(%arg13 : memref<!tpu.dma_semaphore, #tpu.memory_space<semaphore_mem>>)
      %mul3A_89 = arith.constant 2 : i32
      %mul3A_90 = arith.muli %scan3A_47, %mul3A_89 : i32
      %add3A_91 = arith.constant 1 : i32
      %add3A_92 = arith.addi %mul3A_90, %add3A_91 : i32
      %add3A_93 = arith.addi %mul3A_2, %add3A_92 : i32
      %lt3A_94 = arith.constant 24 : i32
      %lt3A_95 = arith.cmpi slt, %scan3A_47, %lt3A_94 : i32
      %convert_element_type3A_96 = arith.extui %lt3A_95 : i1 to i32
      %cond3A_97 = arith.constant 0 : i32
      %cond3A_98 = arith.cmpi ne, %convert_element_type3A_96, %cond3A_97 : i32
      scf.if %cond3A_98 {
        %dma_wait3A_134 = arith.constant 0 : i32
        %dma_wait3A_135 = tpu.memref_slice %arg2[%dma_wait3A_134] : memref<819200xi32, #tpu.memory_space<hbm>> -> memref<512xi32, #tpu.memory_space<hbm>>
        %dma_wait3A_136 = arith.constant 0 : i32
        %dma_wait3A_137 = tpu.memref_slice %arg2[%dma_wait3A_136] : memref<819200xi32, #tpu.memory_space<hbm>> -> memref<512xi32, #tpu.memory_space<hbm>>
        tpu.wait_dma2 semaphore(%arg15 : memref<!tpu.dma_semaphore, #tpu.memory_space<semaphore_mem>>) src(%dma_wait3A_137 : memref<512xi32, #tpu.memory_space<hbm>>) dst(%arg5 : memref<512xi32, #tpu.memory_space<vmem>>)
        %dma_start3A_138 = arith.constant 0 : i32
        %dma_start3A_139 = arith.constant 0 : i32
        %dma_start3A_140 = tpu.memref_slice %arg3[%dma_start3A_138, %dma_start3A_139] : memref<1000000x32xf32, #tpu.memory_space<hbm>> -> memref<1000000x32xf32, #tpu.memory_space<hbm>>
        tpu.enqueue_indirect_dma source(%dma_start3A_140 : memref<1000000x32xf32, #tpu.memory_space<hbm>>) target(%arg7 : memref<512x32xf32, #tpu.memory_space<vmem>>) offsets(%arg5 : memref<512xi32, #tpu.memory_space<vmem>>) semaphore(%arg11 : memref<!tpu.dma_semaphore, #tpu.memory_space<semaphore_mem>>)
      } else {
      }
      %dma_wait3A_99 = arith.constant 0 : i32
      %dma_wait3A_100 = arith.constant 0 : i32
      %dma_wait3A_101 = tpu.memref_slice %arg3[%dma_wait3A_99, %dma_wait3A_100] : memref<1000000x32xf32, #tpu.memory_space<hbm>> -> memref<1000000x32xf32, #tpu.memory_space<hbm>>
      tpu.wait_indirect_dma semaphore(%arg12 : memref<!tpu.dma_semaphore, #tpu.memory_space<semaphore_mem>>) src(%dma_wait3A_101 : memref<1000000x32xf32, #tpu.memory_space<hbm>>) dst(%arg8 : memref<512x32xf32, #tpu.memory_space<vmem>>)
      %lt3A_102 = arith.constant 24 : i32
      %lt3A_103 = arith.cmpi slt, %scan3A_47, %lt3A_102 : i32
      %add3A_104 = arith.constant 2 : i32
      %add3A_105 = arith.addi %add3A_92, %add3A_104 : i32
      %convert_element_type3A_106 = arith.extui %lt3A_103 : i1 to i32
      %cond3A_107 = arith.constant 0 : i32
      %cond3A_108 = arith.cmpi ne, %convert_element_type3A_106, %cond3A_107 : i32
      scf.if %cond3A_108 {
        %add3A_134 = arith.addi %mul3A_2, %add3A_105 : i32
        %mul3A_135 = arith.constant 512 : i32
        %mul3A_136 = arith.muli %add3A_134, %mul3A_135 : i32
        %dma_start3A_137 = tpu.memref_slice %arg2[%mul3A_136] : memref<819200xi32, #tpu.memory_space<hbm>> -> memref<512xi32, #tpu.memory_space<hbm>>
        %dma_start3A_138 = tpu.memref_slice %arg2[%mul3A_136] : memref<819200xi32, #tpu.memory_space<hbm>> -> memref<512xi32, #tpu.memory_space<hbm>>
        tpu.enqueue_dma source(%dma_start3A_138 : memref<512xi32, #tpu.memory_space<hbm>>) target(%arg6 : memref<512xi32, #tpu.memory_space<vmem>>) target_semaphore(%arg16 : memref<!tpu.dma_semaphore, #tpu.memory_space<semaphore_mem>>)
      } else {
      }
      %gt3A_109 = arith.constant 0 : i32
      %gt3A_110 = arith.cmpi sgt, %scan3A_47, %gt3A_109 : i32
      %convert_element_type3A_111 = arith.extui %gt3A_110 : i1 to i32
      %cond3A_112 = arith.constant 0 : i32
      %cond3A_113 = arith.cmpi ne, %convert_element_type3A_111, %cond3A_112 : i32
      scf.if %cond3A_113 {
        %dma_wait3A_134 = arith.constant 0 : i32
        %dma_wait3A_135 = arith.constant 0 : i32
        %dma_wait3A_136 = arith.constant 0 : i32
        %dma_wait3A_137 = arith.constant 0 : i32
        %dma_wait3A_138 = tpu.memref_slice %arg4[%dma_wait3A_134, %dma_wait3A_135, %dma_wait3A_136, %dma_wait3A_137] : memref<200x32x32x128xf32, #tpu.memory_space<hbm>> -> memref<1x32x4x128xf32, #tpu.memory_space<hbm>>
        %dma_wait3A_139 = tpu.memref_squeeze %dma_wait3A_138 : memref<1x32x4x128xf32, #tpu.memory_space<hbm>> -> memref<32x4x128xf32, #tpu.memory_space<hbm>>
        %dma_wait3A_140 = arith.constant 0 : i32
        %dma_wait3A_141 = arith.constant 0 : i32
        %dma_wait3A_142 = arith.constant 0 : i32
        %dma_wait3A_143 = tpu.memref_slice %arg4[%dma_wait3A_134, %dma_wait3A_140, %dma_wait3A_141, %dma_wait3A_142] : memref<200x32x32x128xf32, #tpu.memory_space<hbm>> -> memref<1x32x4x128xf32, #tpu.memory_space<hbm>>
        %dma_wait3A_144 = tpu.memref_squeeze %dma_wait3A_143 : memref<1x32x4x128xf32, #tpu.memory_space<hbm>> -> memref<32x4x128xf32, #tpu.memory_space<hbm>>
        tpu.wait_dma2 semaphore(%arg14 : memref<!tpu.dma_semaphore, #tpu.memory_space<semaphore_mem>>) src(%arg10 : memref<32x4x128xf32, #tpu.memory_space<vmem>>) dst(%dma_wait3A_144 : memref<32x4x128xf32, #tpu.memory_space<hbm>>)
      } else {
      }
      %scan3A_114 = arith.constant 0 : i32
      %scan3A_115 = arith.constant 0 : i32
      %scan3A_116 = arith.constant 32 : i32
      %scan3A_117 = arith.addi %scan3A_115, %scan3A_116 : i32
      %scan3A_118 = arith.constant 1 : i32
      scf.for %scan3A_134 = %scan3A_115 to %scan3A_117 step %scan3A_118  : i32 {
        %mul3A_135 = arith.constant 16 : i32
        %mul3A_136 = arith.muli %scan3A_134, %mul3A_135 : i32
        %add3A_137 = vector.broadcast %mul3A_136 : i32 to vector<16xi32>
        %add3A_138 = arith.addi %add3A_137, %iota3A : vector<16xi32>
        %shift_right_logical3A_139 = arith.constant 3 : i32
        %shift_right_logical3A_140 = arith.shrui %scan3A_134, %shift_right_logical3A_139 : i32
        %broadcast_in_dim3A = arith.constant 0 : i32
        %broadcast_in_dim3A_141 = vector.broadcast %broadcast_in_dim3A : i32 to vector<16xi32>
        %add3A_142 = vector.broadcast %shift_right_logical3A_140 : i32 to vector<16xi32>
        %add3A_143 = arith.addi %broadcast_in_dim3A_141, %add3A_142 : vector<16xi32>
        %and3A_144 = arith.constant 7 : i32
        %and3A_145 = arith.andi %scan3A_134, %and3A_144 : i32
        %mul3A_146 = arith.constant 16 : i32
        %mul3A_147 = arith.muli %and3A_145, %mul3A_146 : i32
        %add3A_148 = vector.broadcast %mul3A_147 : i32 to vector<16xi32>
        %add3A_149 = arith.addi %add3A_148, %iota3A : vector<16xi32>
        %add3A_150 = arith.constant 0 : i32
        %add3A_151 = vector.broadcast %add3A_150 : i32 to vector<16xi32>
        %add3A_152 = arith.addi %iota3A, %add3A_151 : vector<16xi32>
        %and3A_153 = arith.constant 15 : i32
        %and3A_154 = vector.broadcast %and3A_153 : i32 to vector<16xi32>
        %and3A_155 = arith.andi %add3A_152, %and3A_154 : vector<16xi32>
        %add3A_156 = arith.constant 0 : i32
        %add3A_157 = vector.broadcast %add3A_156 : i32 to vector<16xi32>
        %add3A_158 = arith.addi %add3A_157, %and3A_155 : vector<16xi32>
        %gather3A = tpu.vector_load_idx %arg8[%add3A_138, %add3A_158] : memref<512x32xf32, #tpu.memory_space<vmem>>[vector<16xi32>, vector<16xi32>], vector<16xf32>,
        tpu.vector_store_idx %arg10[%add3A_158, %add3A_143, %add3A_149], %gather3A : memref<32x4x128xf32, #tpu.memory_space<vmem>>[vector<16xi32>, vector<16xi32>, vector<16xi32>], vector<16xf32>,
        %add3A_159 = arith.constant 1 : i32
        %add3A_160 = vector.broadcast %add3A_159 : i32 to vector<16xi32>
        %add3A_161 = arith.addi %iota3A, %add3A_160 : vector<16xi32>
        %and3A_162 = arith.constant 15 : i32
        %and3A_163 = vector.broadcast %and3A_162 : i32 to vector<16xi32>
        %and3A_164 = arith.andi %add3A_161, %and3A_163 : vector<16xi32>
        %add3A_165 = arith.constant 0 : i32
        %add3A_166 = vector.broadcast %add3A_165 : i32 to vector<16xi32>
        %add3A_167 = arith.addi %add3A_166, %and3A_164 : vector<16xi32>
        %gather3A_168 = tpu.vector_load_idx %arg8[%add3A_138, %add3A_167] : memref<512x32xf32, #tpu.memory_space<vmem>>[vector<16xi32>, vector<16xi32>], vector<16xf32>,
        tpu.vector_store_idx %arg10[%add3A_167, %add3A_143, %add3A_149], %gather3A_168 : memref<32x4x128xf32, #tpu.memory_space<vmem>>[vector<16xi32>, vector<16xi32>, vector<16xi32>], vector<16xf32>,
        %add3A_169 = arith.constant 2 : i32
        %add3A_170 = vector.broadcast %add3A_169 : i32 to vector<16xi32>
        %add3A_171 = arith.addi %iota3A, %add3A_170 : vector<16xi32>
        %and3A_172 = arith.constant 15 : i32
        %and3A_173 = vector.broadcast %and3A_172 : i32 to vector<16xi32>
        %and3A_174 = arith.andi %add3A_171, %and3A_173 : vector<16xi32>
        %add3A_175 = arith.constant 0 : i32
        %add3A_176 = vector.broadcast %add3A_175 : i32 to vector<16xi32>
        %add3A_177 = arith.addi %add3A_176, %and3A_174 : vector<16xi32>
        %gather3A_178 = tpu.vector_load_idx %arg8[%add3A_138, %add3A_177] : memref<512x32xf32, #tpu.memory_space<vmem>>[vector<16xi32>, vector<16xi32>], vector<16xf32>,
        tpu.vector_store_idx %arg10[%add3A_177, %add3A_143, %add3A_149], %gather3A_178 : memref<32x4x128xf32, #tpu.memory_space<vmem>>[vector<16xi32>, vector<16xi32>, vector<16xi32>], vector<16xf32>,
        %add3A_179 = arith.constant 3 : i32
        %add3A_180 = vector.broadcast %add3A_179 : i32 to vector<16xi32>
        %add3A_181 = arith.addi %iota3A, %add3A_180 : vector<16xi32>
        %and3A_182 = arith.constant 15 : i32
        %and3A_183 = vector.broadcast %and3A_182 : i32 to vector<16xi32>
        %and3A_184 = arith.andi %add3A_181, %and3A_183 : vector<16xi32>
        %add3A_185 = arith.constant 0 : i32
        %add3A_186 = vector.broadcast %add3A_185 : i32 to vector<16xi32>
        %add3A_187 = arith.addi %add3A_186, %and3A_184 : vector<16xi32>
        %gather3A_188 = tpu.vector_load_idx %arg8[%add3A_138, %add3A_187] : memref<512x32xf32, #tpu.memory_space<vmem>>[vector<16xi32>, vector<16xi32>], vector<16xf32>,
        tpu.vector_store_idx %arg10[%add3A_187, %add3A_143, %add3A_149], %gather3A_188 : memref<32x4x128xf32, #tpu.memory_space<vmem>>[vector<16xi32>, vector<16xi32>, vector<16xi32>], vector<16xf32>,
        %add3A_189 = arith.constant 4 : i32
        %add3A_190 = vector.broadcast %add3A_189 : i32 to vector<16xi32>
        %add3A_191 = arith.addi %iota3A, %add3A_190 : vector<16xi32>
        %and3A_192 = arith.constant 15 : i32
        %and3A_193 = vector.broadcast %and3A_192 : i32 to vector<16xi32>
        %and3A_194 = arith.andi %add3A_191, %and3A_193 : vector<16xi32>
        %add3A_195 = arith.constant 0 : i32
        %add3A_196 = vector.broadcast %add3A_195 : i32 to vector<16xi32>
        %add3A_197 = arith.addi %add3A_196, %and3A_194 : vector<16xi32>
        %gather3A_198 = tpu.vector_load_idx %arg8[%add3A_138, %add3A_197] : memref<512x32xf32, #tpu.memory_space<vmem>>[vector<16xi32>, vector<16xi32>], vector<16xf32>,
        tpu.vector_store_idx %arg10[%add3A_197, %add3A_143, %add3A_149], %gather3A_198 : memref<32x4x128xf32, #tpu.memory_space<vmem>>[vector<16xi32>, vector<16xi32>, vector<16xi32>], vector<16xf32>,
        %add3A_199 = arith.constant 5 : i32
        %add3A_200 = vector.broadcast %add3A_199 : i32 to vector<16xi32>
        %add3A_201 = arith.addi %iota3A, %add3A_200 : vector<16xi32>
        %and3A_202 = arith.constant 15 : i32
        %and3A_203 = vector.broadcast %and3A_202 : i32 to vector<16xi32>
        %and3A_204 = arith.andi %add3A_201, %and3A_203 : vector<16xi32>
        %add3A_205 = arith.constant 0 : i32
        %add3A_206 = vector.broadcast %add3A_205 : i32 to vector<16xi32>
        %add3A_207 = arith.addi %add3A_206, %and3A_204 : vector<16xi32>
        %gather3A_208 = tpu.vector_load_idx %arg8[%add3A_138, %add3A_207] : memref<512x32xf32, #tpu.memory_space<vmem>>[vector<16xi32>, vector<16xi32>], vector<16xf32>,
        tpu.vector_store_idx %arg10[%add3A_207, %add3A_143, %add3A_149], %gather3A_208 : memref<32x4x128xf32, #tpu.memory_space<vmem>>[vector<16xi32>, vector<16xi32>, vector<16xi32>], vector<16xf32>,
        %add3A_209 = arith.constant 6 : i32
        %add3A_210 = vector.broadcast %add3A_209 : i32 to vector<16xi32>
        %add3A_211 = arith.addi %iota3A, %add3A_210 : vector<16xi32>
        %and3A_212 = arith.constant 15 : i32
        %and3A_213 = vector.broadcast %and3A_212 : i32 to vector<16xi32>
        %and3A_214 = arith.andi %add3A_211, %and3A_213 : vector<16xi32>
        %add3A_215 = arith.constant 0 : i32
        %add3A_216 = vector.broadcast %add3A_215 : i32 to vector<16xi32>
        %add3A_217 = arith.addi %add3A_216, %and3A_214 : vector<16xi32>
        %gather3A_218 = tpu.vector_load_idx %arg8[%add3A_138, %add3A_217] : memref<512x32xf32, #tpu.memory_space<vmem>>[vector<16xi32>, vector<16xi32>], vector<16xf32>,
        tpu.vector_store_idx %arg10[%add3A_217, %add3A_143, %add3A_149], %gather3A_218 : memref<32x4x128xf32, #tpu.memory_space<vmem>>[vector<16xi32>, vector<16xi32>, vector<16xi32>], vector<16xf32>,
        %add3A_219 = arith.constant 7 : i32
        %add3A_220 = vector.broadcast %add3A_219 : i32 to vector<16xi32>
        %add3A_221 = arith.addi %iota3A, %add3A_220 : vector<16xi32>
        %and3A_222 = arith.constant 15 : i32
        %and3A_223 = vector.broadcast %and3A_222 : i32 to vector<16xi32>
        %and3A_224 = arith.andi %add3A_221, %and3A_223 : vector<16xi32>
        %add3A_225 = arith.constant 0 : i32
        %add3A_226 = vector.broadcast %add3A_225 : i32 to vector<16xi32>
        %add3A_227 = arith.addi %add3A_226, %and3A_224 : vector<16xi32>
        %gather3A_228 = tpu.vector_load_idx %arg8[%add3A_138, %add3A_227] : memref<512x32xf32, #tpu.memory_space<vmem>>[vector<16xi32>, vector<16xi32>], vector<16xf32>,
        tpu.vector_store_idx %arg10[%add3A_227, %add3A_143, %add3A_149], %gather3A_228 : memref<32x4x128xf32, #tpu.memory_space<vmem>>[vector<16xi32>, vector<16xi32>, vector<16xi32>], vector<16xf32>,
        %add3A_229 = arith.constant 8 : i32
        %add3A_230 = vector.broadcast %add3A_229 : i32 to vector<16xi32>
        %add3A_231 = arith.addi %iota3A, %add3A_230 : vector<16xi32>
        %and3A_232 = arith.constant 15 : i32
        %and3A_233 = vector.broadcast %and3A_232 : i32 to vector<16xi32>
        %and3A_234 = arith.andi %add3A_231, %and3A_233 : vector<16xi32>
        %add3A_235 = arith.constant 0 : i32
        %add3A_236 = vector.broadcast %add3A_235 : i32 to vector<16xi32>
        %add3A_237 = arith.addi %add3A_236, %and3A_234 : vector<16xi32>
        %gather3A_238 = tpu.vector_load_idx %arg8[%add3A_138, %add3A_237] : memref<512x32xf32, #tpu.memory_space<vmem>>[vector<16xi32>, vector<16xi32>], vector<16xf32>,
        tpu.vector_store_idx %arg10[%add3A_237, %add3A_143, %add3A_149], %gather3A_238 : memref<32x4x128xf32, #tpu.memory_space<vmem>>[vector<16xi32>, vector<16xi32>, vector<16xi32>], vector<16xf32>,
        %add3A_239 = arith.constant 9 : i32
        %add3A_240 = vector.broadcast %add3A_239 : i32 to vector<16xi32>
        %add3A_241 = arith.addi %iota3A, %add3A_240 : vector<16xi32>
        %and3A_242 = arith.constant 15 : i32
        %and3A_243 = vector.broadcast %and3A_242 : i32 to vector<16xi32>
        %and3A_244 = arith.andi %add3A_241, %and3A_243 : vector<16xi32>
        %add3A_245 = arith.constant 0 : i32
        %add3A_246 = vector.broadcast %add3A_245 : i32 to vector<16xi32>
        %add3A_247 = arith.addi %add3A_246, %and3A_244 : vector<16xi32>
        %gather3A_248 = tpu.vector_load_idx %arg8[%add3A_138, %add3A_247] : memref<512x32xf32, #tpu.memory_space<vmem>>[vector<16xi32>, vector<16xi32>], vector<16xf32>,
        tpu.vector_store_idx %arg10[%add3A_247, %add3A_143, %add3A_149], %gather3A_248 : memref<32x4x128xf32, #tpu.memory_space<vmem>>[vector<16xi32>, vector<16xi32>, vector<16xi32>], vector<16xf32>,
        %add3A_249 = arith.constant 10 : i32
        %add3A_250 = vector.broadcast %add3A_249 : i32 to vector<16xi32>
        %add3A_251 = arith.addi %iota3A, %add3A_250 : vector<16xi32>
        %and3A_252 = arith.constant 15 : i32
        %and3A_253 = vector.broadcast %and3A_252 : i32 to vector<16xi32>
        %and3A_254 = arith.andi %add3A_251, %and3A_253 : vector<16xi32>
        %add3A_255 = arith.constant 0 : i32
        %add3A_256 = vector.broadcast %add3A_255 : i32 to vector<16xi32>
        %add3A_257 = arith.addi %add3A_256, %and3A_254 : vector<16xi32>
        %gather3A_258 = tpu.vector_load_idx %arg8[%add3A_138, %add3A_257] : memref<512x32xf32, #tpu.memory_space<vmem>>[vector<16xi32>, vector<16xi32>], vector<16xf32>,
        tpu.vector_store_idx %arg10[%add3A_257, %add3A_143, %add3A_149], %gather3A_258 : memref<32x4x128xf32, #tpu.memory_space<vmem>>[vector<16xi32>, vector<16xi32>, vector<16xi32>], vector<16xf32>,
        %add3A_259 = arith.constant 11 : i32
        %add3A_260 = vector.broadcast %add3A_259 : i32 to vector<16xi32>
        %add3A_261 = arith.addi %iota3A, %add3A_260 : vector<16xi32>
        %and3A_262 = arith.constant 15 : i32
        %and3A_263 = vector.broadcast %and3A_262 : i32 to vector<16xi32>
        %and3A_264 = arith.andi %add3A_261, %and3A_263 : vector<16xi32>
        %add3A_265 = arith.constant 0 : i32
        %add3A_266 = vector.broadcast %add3A_265 : i32 to vector<16xi32>
        %add3A_267 = arith.addi %add3A_266, %and3A_264 : vector<16xi32>
        %gather3A_268 = tpu.vector_load_idx %arg8[%add3A_138, %add3A_267] : memref<512x32xf32, #tpu.memory_space<vmem>>[vector<16xi32>, vector<16xi32>], vector<16xf32>,
        tpu.vector_store_idx %arg10[%add3A_267, %add3A_143, %add3A_149], %gather3A_268 : memref<32x4x128xf32, #tpu.memory_space<vmem>>[vector<16xi32>, vector<16xi32>, vector<16xi32>], vector<16xf32>,
        %add3A_269 = arith.constant 12 : i32
        %add3A_270 = vector.broadcast %add3A_269 : i32 to vector<16xi32>
        %add3A_271 = arith.addi %iota3A, %add3A_270 : vector<16xi32>
        %and3A_272 = arith.constant 15 : i32
        %and3A_273 = vector.broadcast %and3A_272 : i32 to vector<16xi32>
        %and3A_274 = arith.andi %add3A_271, %and3A_273 : vector<16xi32>
        %add3A_275 = arith.constant 0 : i32
        %add3A_276 = vector.broadcast %add3A_275 : i32 to vector<16xi32>
        %add3A_277 = arith.addi %add3A_276, %and3A_274 : vector<16xi32>
        %gather3A_278 = tpu.vector_load_idx %arg8[%add3A_138, %add3A_277] : memref<512x32xf32, #tpu.memory_space<vmem>>[vector<16xi32>, vector<16xi32>], vector<16xf32>,
        tpu.vector_store_idx %arg10[%add3A_277, %add3A_143, %add3A_149], %gather3A_278 : memref<32x4x128xf32, #tpu.memory_space<vmem>>[vector<16xi32>, vector<16xi32>, vector<16xi32>], vector<16xf32>,
        %add3A_279 = arith.constant 13 : i32
        %add3A_280 = vector.broadcast %add3A_279 : i32 to vector<16xi32>
        %add3A_281 = arith.addi %iota3A, %add3A_280 : vector<16xi32>
        %and3A_282 = arith.constant 15 : i32
        %and3A_283 = vector.broadcast %and3A_282 : i32 to vector<16xi32>
        %and3A_284 = arith.andi %add3A_281, %and3A_283 : vector<16xi32>
        %add3A_285 = arith.constant 0 : i32
        %add3A_286 = vector.broadcast %add3A_285 : i32 to vector<16xi32>
        %add3A_287 = arith.addi %add3A_286, %and3A_284 : vector<16xi32>
        %gather3A_288 = tpu.vector_load_idx %arg8[%add3A_138, %add3A_287] : memref<512x32xf32, #tpu.memory_space<vmem>>[vector<16xi32>, vector<16xi32>], vector<16xf32>,
        tpu.vector_store_idx %arg10[%add3A_287, %add3A_143, %add3A_149], %gather3A_288 : memref<32x4x128xf32, #tpu.memory_space<vmem>>[vector<16xi32>, vector<16xi32>, vector<16xi32>], vector<16xf32>,
        %add3A_289 = arith.constant 14 : i32
        %add3A_290 = vector.broadcast %add3A_289 : i32 to vector<16xi32>
        %add3A_291 = arith.addi %iota3A, %add3A_290 : vector<16xi32>
        %and3A_292 = arith.constant 15 : i32
        %and3A_293 = vector.broadcast %and3A_292 : i32 to vector<16xi32>
        %and3A_294 = arith.andi %add3A_291, %and3A_293 : vector<16xi32>
        %add3A_295 = arith.constant 0 : i32
        %add3A_296 = vector.broadcast %add3A_295 : i32 to vector<16xi32>
        %add3A_297 = arith.addi %add3A_296, %and3A_294 : vector<16xi32>
        %gather3A_298 = tpu.vector_load_idx %arg8[%add3A_138, %add3A_297] : memref<512x32xf32, #tpu.memory_space<vmem>>[vector<16xi32>, vector<16xi32>], vector<16xf32>,
        tpu.vector_store_idx %arg10[%add3A_297, %add3A_143, %add3A_149], %gather3A_298 : memref<32x4x128xf32, #tpu.memory_space<vmem>>[vector<16xi32>, vector<16xi32>, vector<16xi32>], vector<16xf32>,
        %add3A_299 = arith.constant 15 : i32
        %add3A_300 = vector.broadcast %add3A_299 : i32 to vector<16xi32>
        %add3A_301 = arith.addi %iota3A, %add3A_300 : vector<16xi32>
        %and3A_302 = arith.constant 15 : i32
        %and3A_303 = vector.broadcast %and3A_302 : i32 to vector<16xi32>
        %and3A_304 = arith.andi %add3A_301, %and3A_303 : vector<16xi32>
        %add3A_305 = arith.constant 0 : i32
        %add3A_306 = vector.broadcast %add3A_305 : i32 to vector<16xi32>
        %add3A_307 = arith.addi %add3A_306, %and3A_304 : vector<16xi32>
        %gather3A_308 = tpu.vector_load_idx %arg8[%add3A_138, %add3A_307] : memref<512x32xf32, #tpu.memory_space<vmem>>[vector<16xi32>, vector<16xi32>], vector<16xf32>,
        tpu.vector_store_idx %arg10[%add3A_307, %add3A_143, %add3A_149], %gather3A_308 : memref<32x4x128xf32, #tpu.memory_space<vmem>>[vector<16xi32>, vector<16xi32>, vector<16xi32>], vector<16xf32>,
        %add3A_309 = arith.constant 0 : i32
        %add3A_310 = vector.broadcast %add3A_309 : i32 to vector<16xi32>
        %add3A_311 = arith.addi %iota3A, %add3A_310 : vector<16xi32>
        %and3A_312 = arith.constant 15 : i32
        %and3A_313 = vector.broadcast %and3A_312 : i32 to vector<16xi32>
        %and3A_314 = arith.andi %add3A_311, %and3A_313 : vector<16xi32>
        %add3A_315 = arith.constant 16 : i32
        %add3A_316 = vector.broadcast %add3A_315 : i32 to vector<16xi32>
        %add3A_317 = arith.addi %add3A_316, %and3A_314 : vector<16xi32>
        %gather3A_318 = tpu.vector_load_idx %arg8[%add3A_138, %add3A_317] : memref<512x32xf32, #tpu.memory_space<vmem>>[vector<16xi32>, vector<16xi32>], vector<16xf32>,
        tpu.vector_store_idx %arg10[%add3A_317, %add3A_143, %add3A_149], %gather3A_318 : memref<32x4x128xf32, #tpu.memory_space<vmem>>[vector<16xi32>, vector<16xi32>, vector<16xi32>], vector<16xf32>,
        %add3A_319 = arith.constant 1 : i32
        %add3A_320 = vector.broadcast %add3A_319 : i32 to vector<16xi32>
        %add3A_321 = arith.addi %iota3A, %add3A_320 : vector<16xi32>
        %and3A_322 = arith.constant 15 : i32
        %and3A_323 = vector.broadcast %and3A_322 : i32 to vector<16xi32>
        %and3A_324 = arith.andi %add3A_321, %and3A_323 : vector<16xi32>
        %add3A_325 = arith.constant 16 : i32
        %add3A_326 = vector.broadcast %add3A_325 : i32 to vector<16xi32>
        %add3A_327 = arith.addi %add3A_326, %and3A_324 : vector<16xi32>
        %gather3A_328 = tpu.vector_load_idx %arg8[%add3A_138, %add3A_327] : memref<512x32xf32, #tpu.memory_space<vmem>>[vector<16xi32>, vector<16xi32>], vector<16xf32>,
        tpu.vector_store_idx %arg10[%add3A_327, %add3A_143, %add3A_149], %gather3A_328 : memref<32x4x128xf32, #tpu.memory_space<vmem>>[vector<16xi32>, vector<16xi32>, vector<16xi32>], vector<16xf32>,
        %add3A_329 = arith.constant 2 : i32
        %add3A_330 = vector.broadcast %add3A_329 : i32 to vector<16xi32>
        %add3A_331 = arith.addi %iota3A, %add3A_330 : vector<16xi32>
        %and3A_332 = arith.constant 15 : i32
        %and3A_333 = vector.broadcast %and3A_332 : i32 to vector<16xi32>
        %and3A_334 = arith.andi %add3A_331, %and3A_333 : vector<16xi32>
        %add3A_335 = arith.constant 16 : i32
        %add3A_336 = vector.broadcast %add3A_335 : i32 to vector<16xi32>
        %add3A_337 = arith.addi %add3A_336, %and3A_334 : vector<16xi32>
        %gather3A_338 = tpu.vector_load_idx %arg8[%add3A_138, %add3A_337] : memref<512x32xf32, #tpu.memory_space<vmem>>[vector<16xi32>, vector<16xi32>], vector<16xf32>,
        tpu.vector_store_idx %arg10[%add3A_337, %add3A_143, %add3A_149], %gather3A_338 : memref<32x4x128xf32, #tpu.memory_space<vmem>>[vector<16xi32>, vector<16xi32>, vector<16xi32>], vector<16xf32>,
        %add3A_339 = arith.constant 3 : i32
        %add3A_340 = vector.broadcast %add3A_339 : i32 to vector<16xi32>
        %add3A_341 = arith.addi %iota3A, %add3A_340 : vector<16xi32>
        %and3A_342 = arith.constant 15 : i32
        %and3A_343 = vector.broadcast %and3A_342 : i32 to vector<16xi32>
        %and3A_344 = arith.andi %add3A_341, %and3A_343 : vector<16xi32>
        %add3A_345 = arith.constant 16 : i32
        %add3A_346 = vector.broadcast %add3A_345 : i32 to vector<16xi32>
        %add3A_347 = arith.addi %add3A_346, %and3A_344 : vector<16xi32>
        %gather3A_348 = tpu.vector_load_idx %arg8[%add3A_138, %add3A_347] : memref<512x32xf32, #tpu.memory_space<vmem>>[vector<16xi32>, vector<16xi32>], vector<16xf32>,
        tpu.vector_store_idx %arg10[%add3A_347, %add3A_143, %add3A_149], %gather3A_348 : memref<32x4x128xf32, #tpu.memory_space<vmem>>[vector<16xi32>, vector<16xi32>, vector<16xi32>], vector<16xf32>,
        %add3A_349 = arith.constant 4 : i32
        %add3A_350 = vector.broadcast %add3A_349 : i32 to vector<16xi32>
        %add3A_351 = arith.addi %iota3A, %add3A_350 : vector<16xi32>
        %and3A_352 = arith.constant 15 : i32
        %and3A_353 = vector.broadcast %and3A_352 : i32 to vector<16xi32>
        %and3A_354 = arith.andi %add3A_351, %and3A_353 : vector<16xi32>
        %add3A_355 = arith.constant 16 : i32
        %add3A_356 = vector.broadcast %add3A_355 : i32 to vector<16xi32>
        %add3A_357 = arith.addi %add3A_356, %and3A_354 : vector<16xi32>
        %gather3A_358 = tpu.vector_load_idx %arg8[%add3A_138, %add3A_357] : memref<512x32xf32, #tpu.memory_space<vmem>>[vector<16xi32>, vector<16xi32>], vector<16xf32>,
        tpu.vector_store_idx %arg10[%add3A_357, %add3A_143, %add3A_149], %gather3A_358 : memref<32x4x128xf32, #tpu.memory_space<vmem>>[vector<16xi32>, vector<16xi32>, vector<16xi32>], vector<16xf32>,
        %add3A_359 = arith.constant 5 : i32
        %add3A_360 = vector.broadcast %add3A_359 : i32 to vector<16xi32>
        %add3A_361 = arith.addi %iota3A, %add3A_360 : vector<16xi32>
        %and3A_362 = arith.constant 15 : i32
        %and3A_363 = vector.broadcast %and3A_362 : i32 to vector<16xi32>
        %and3A_364 = arith.andi %add3A_361, %and3A_363 : vector<16xi32>
        %add3A_365 = arith.constant 16 : i32
        %add3A_366 = vector.broadcast %add3A_365 : i32 to vector<16xi32>
        %add3A_367 = arith.addi %add3A_366, %and3A_364 : vector<16xi32>
        %gather3A_368 = tpu.vector_load_idx %arg8[%add3A_138, %add3A_367] : memref<512x32xf32, #tpu.memory_space<vmem>>[vector<16xi32>, vector<16xi32>], vector<16xf32>,
        tpu.vector_store_idx %arg10[%add3A_367, %add3A_143, %add3A_149], %gather3A_368 : memref<32x4x128xf32, #tpu.memory_space<vmem>>[vector<16xi32>, vector<16xi32>, vector<16xi32>], vector<16xf32>,
        %add3A_369 = arith.constant 6 : i32
        %add3A_370 = vector.broadcast %add3A_369 : i32 to vector<16xi32>
        %add3A_371 = arith.addi %iota3A, %add3A_370 : vector<16xi32>
        %and3A_372 = arith.constant 15 : i32
        %and3A_373 = vector.broadcast %and3A_372 : i32 to vector<16xi32>
        %and3A_374 = arith.andi %add3A_371, %and3A_373 : vector<16xi32>
        %add3A_375 = arith.constant 16 : i32
        %add3A_376 = vector.broadcast %add3A_375 : i32 to vector<16xi32>
        %add3A_377 = arith.addi %add3A_376, %and3A_374 : vector<16xi32>
        %gather3A_378 = tpu.vector_load_idx %arg8[%add3A_138, %add3A_377] : memref<512x32xf32, #tpu.memory_space<vmem>>[vector<16xi32>, vector<16xi32>], vector<16xf32>,
        tpu.vector_store_idx %arg10[%add3A_377, %add3A_143, %add3A_149], %gather3A_378 : memref<32x4x128xf32, #tpu.memory_space<vmem>>[vector<16xi32>, vector<16xi32>, vector<16xi32>], vector<16xf32>,
        %add3A_379 = arith.constant 7 : i32
        %add3A_380 = vector.broadcast %add3A_379 : i32 to vector<16xi32>
        %add3A_381 = arith.addi %iota3A, %add3A_380 : vector<16xi32>
        %and3A_382 = arith.constant 15 : i32
        %and3A_383 = vector.broadcast %and3A_382 : i32 to vector<16xi32>
        %and3A_384 = arith.andi %add3A_381, %and3A_383 : vector<16xi32>
        %add3A_385 = arith.constant 16 : i32
        %add3A_386 = vector.broadcast %add3A_385 : i32 to vector<16xi32>
        %add3A_387 = arith.addi %add3A_386, %and3A_384 : vector<16xi32>
        %gather3A_388 = tpu.vector_load_idx %arg8[%add3A_138, %add3A_387] : memref<512x32xf32, #tpu.memory_space<vmem>>[vector<16xi32>, vector<16xi32>], vector<16xf32>,
        tpu.vector_store_idx %arg10[%add3A_387, %add3A_143, %add3A_149], %gather3A_388 : memref<32x4x128xf32, #tpu.memory_space<vmem>>[vector<16xi32>, vector<16xi32>, vector<16xi32>], vector<16xf32>,
        %add3A_389 = arith.constant 8 : i32
        %add3A_390 = vector.broadcast %add3A_389 : i32 to vector<16xi32>
        %add3A_391 = arith.addi %iota3A, %add3A_390 : vector<16xi32>
        %and3A_392 = arith.constant 15 : i32
        %and3A_393 = vector.broadcast %and3A_392 : i32 to vector<16xi32>
        %and3A_394 = arith.andi %add3A_391, %and3A_393 : vector<16xi32>
        %add3A_395 = arith.constant 16 : i32
        %add3A_396 = vector.broadcast %add3A_395 : i32 to vector<16xi32>
        %add3A_397 = arith.addi %add3A_396, %and3A_394 : vector<16xi32>
        %gather3A_398 = tpu.vector_load_idx %arg8[%add3A_138, %add3A_397] : memref<512x32xf32, #tpu.memory_space<vmem>>[vector<16xi32>, vector<16xi32>], vector<16xf32>,
        tpu.vector_store_idx %arg10[%add3A_397, %add3A_143, %add3A_149], %gather3A_398 : memref<32x4x128xf32, #tpu.memory_space<vmem>>[vector<16xi32>, vector<16xi32>, vector<16xi32>], vector<16xf32>,
        %add3A_399 = arith.constant 9 : i32
        %add3A_400 = vector.broadcast %add3A_399 : i32 to vector<16xi32>
        %add3A_401 = arith.addi %iota3A, %add3A_400 : vector<16xi32>
        %and3A_402 = arith.constant 15 : i32
        %and3A_403 = vector.broadcast %and3A_402 : i32 to vector<16xi32>
        %and3A_404 = arith.andi %add3A_401, %and3A_403 : vector<16xi32>
        %add3A_405 = arith.constant 16 : i32
        %add3A_406 = vector.broadcast %add3A_405 : i32 to vector<16xi32>
        %add3A_407 = arith.addi %add3A_406, %and3A_404 : vector<16xi32>
        %gather3A_408 = tpu.vector_load_idx %arg8[%add3A_138, %add3A_407] : memref<512x32xf32, #tpu.memory_space<vmem>>[vector<16xi32>, vector<16xi32>], vector<16xf32>,
        tpu.vector_store_idx %arg10[%add3A_407, %add3A_143, %add3A_149], %gather3A_408 : memref<32x4x128xf32, #tpu.memory_space<vmem>>[vector<16xi32>, vector<16xi32>, vector<16xi32>], vector<16xf32>,
        %add3A_409 = arith.constant 10 : i32
        %add3A_410 = vector.broadcast %add3A_409 : i32 to vector<16xi32>
        %add3A_411 = arith.addi %iota3A, %add3A_410 : vector<16xi32>
        %and3A_412 = arith.constant 15 : i32
        %and3A_413 = vector.broadcast %and3A_412 : i32 to vector<16xi32>
        %and3A_414 = arith.andi %add3A_411, %and3A_413 : vector<16xi32>
        %add3A_415 = arith.constant 16 : i32
        %add3A_416 = vector.broadcast %add3A_415 : i32 to vector<16xi32>
        %add3A_417 = arith.addi %add3A_416, %and3A_414 : vector<16xi32>
        %gather3A_418 = tpu.vector_load_idx %arg8[%add3A_138, %add3A_417] : memref<512x32xf32, #tpu.memory_space<vmem>>[vector<16xi32>, vector<16xi32>], vector<16xf32>,
        tpu.vector_store_idx %arg10[%add3A_417, %add3A_143, %add3A_149], %gather3A_418 : memref<32x4x128xf32, #tpu.memory_space<vmem>>[vector<16xi32>, vector<16xi32>, vector<16xi32>], vector<16xf32>,
        %add3A_419 = arith.constant 11 : i32
        %add3A_420 = vector.broadcast %add3A_419 : i32 to vector<16xi32>
        %add3A_421 = arith.addi %iota3A, %add3A_420 : vector<16xi32>
        %and3A_422 = arith.constant 15 : i32
        %and3A_423 = vector.broadcast %and3A_422 : i32 to vector<16xi32>
        %and3A_424 = arith.andi %add3A_421, %and3A_423 : vector<16xi32>
        %add3A_425 = arith.constant 16 : i32
        %add3A_426 = vector.broadcast %add3A_425 : i32 to vector<16xi32>
        %add3A_427 = arith.addi %add3A_426, %and3A_424 : vector<16xi32>
        %gather3A_428 = tpu.vector_load_idx %arg8[%add3A_138, %add3A_427] : memref<512x32xf32, #tpu.memory_space<vmem>>[vector<16xi32>, vector<16xi32>], vector<16xf32>,
        tpu.vector_store_idx %arg10[%add3A_427, %add3A_143, %add3A_149], %gather3A_428 : memref<32x4x128xf32, #tpu.memory_space<vmem>>[vector<16xi32>, vector<16xi32>, vector<16xi32>], vector<16xf32>,
        %add3A_429 = arith.constant 12 : i32
        %add3A_430 = vector.broadcast %add3A_429 : i32 to vector<16xi32>
        %add3A_431 = arith.addi %iota3A, %add3A_430 : vector<16xi32>
        %and3A_432 = arith.constant 15 : i32
        %and3A_433 = vector.broadcast %and3A_432 : i32 to vector<16xi32>
        %and3A_434 = arith.andi %add3A_431, %and3A_433 : vector<16xi32>
        %add3A_435 = arith.constant 16 : i32
        %add3A_436 = vector.broadcast %add3A_435 : i32 to vector<16xi32>
        %add3A_437 = arith.addi %add3A_436, %and3A_434 : vector<16xi32>
        %gather3A_438 = tpu.vector_load_idx %arg8[%add3A_138, %add3A_437] : memref<512x32xf32, #tpu.memory_space<vmem>>[vector<16xi32>, vector<16xi32>], vector<16xf32>,
        tpu.vector_store_idx %arg10[%add3A_437, %add3A_143, %add3A_149], %gather3A_438 : memref<32x4x128xf32, #tpu.memory_space<vmem>>[vector<16xi32>, vector<16xi32>, vector<16xi32>], vector<16xf32>,
        %add3A_439 = arith.constant 13 : i32
        %add3A_440 = vector.broadcast %add3A_439 : i32 to vector<16xi32>
        %add3A_441 = arith.addi %iota3A, %add3A_440 : vector<16xi32>
        %and3A_442 = arith.constant 15 : i32
        %and3A_443 = vector.broadcast %and3A_442 : i32 to vector<16xi32>
        %and3A_444 = arith.andi %add3A_441, %and3A_443 : vector<16xi32>
        %add3A_445 = arith.constant 16 : i32
        %add3A_446 = vector.broadcast %add3A_445 : i32 to vector<16xi32>
        %add3A_447 = arith.addi %add3A_446, %and3A_444 : vector<16xi32>
        %gather3A_448 = tpu.vector_load_idx %arg8[%add3A_138, %add3A_447] : memref<512x32xf32, #tpu.memory_space<vmem>>[vector<16xi32>, vector<16xi32>], vector<16xf32>,
        tpu.vector_store_idx %arg10[%add3A_447, %add3A_143, %add3A_149], %gather3A_448 : memref<32x4x128xf32, #tpu.memory_space<vmem>>[vector<16xi32>, vector<16xi32>, vector<16xi32>], vector<16xf32>,
        %add3A_449 = arith.constant 14 : i32
        %add3A_450 = vector.broadcast %add3A_449 : i32 to vector<16xi32>
        %add3A_451 = arith.addi %iota3A, %add3A_450 : vector<16xi32>
        %and3A_452 = arith.constant 15 : i32
        %and3A_453 = vector.broadcast %and3A_452 : i32 to vector<16xi32>
        %and3A_454 = arith.andi %add3A_451, %and3A_453 : vector<16xi32>
        %add3A_455 = arith.constant 16 : i32
        %add3A_456 = vector.broadcast %add3A_455 : i32 to vector<16xi32>
        %add3A_457 = arith.addi %add3A_456, %and3A_454 : vector<16xi32>
        %gather3A_458 = tpu.vector_load_idx %arg8[%add3A_138, %add3A_457] : memref<512x32xf32, #tpu.memory_space<vmem>>[vector<16xi32>, vector<16xi32>], vector<16xf32>,
        tpu.vector_store_idx %arg10[%add3A_457, %add3A_143, %add3A_149], %gather3A_458 : memref<32x4x128xf32, #tpu.memory_space<vmem>>[vector<16xi32>, vector<16xi32>, vector<16xi32>], vector<16xf32>,
        %add3A_459 = arith.constant 15 : i32
        %add3A_460 = vector.broadcast %add3A_459 : i32 to vector<16xi32>
        %add3A_461 = arith.addi %iota3A, %add3A_460 : vector<16xi32>
        %and3A_462 = arith.constant 15 : i32
        %and3A_463 = vector.broadcast %and3A_462 : i32 to vector<16xi32>
        %and3A_464 = arith.andi %add3A_461, %and3A_463 : vector<16xi32>
        %add3A_465 = arith.constant 16 : i32
        %add3A_466 = vector.broadcast %add3A_465 : i32 to vector<16xi32>
        %add3A_467 = arith.addi %add3A_466, %and3A_464 : vector<16xi32>
        %gather3A_468 = tpu.vector_load_idx %arg8[%add3A_138, %add3A_467] : memref<512x32xf32, #tpu.memory_space<vmem>>[vector<16xi32>, vector<16xi32>], vector<16xf32>,
        tpu.vector_store_idx %arg10[%add3A_467, %add3A_143, %add3A_149], %gather3A_468 : memref<32x4x128xf32, #tpu.memory_space<vmem>>[vector<16xi32>, vector<16xi32>, vector<16xi32>], vector<16xf32>,
      }
      %scan3A_119 = arith.constant 32 : i32
      %shift_right_logical3A_120 = arith.constant 3 : i32
      %shift_right_logical3A_121 = arith.shrui %add3A_93, %shift_right_logical3A_120 : i32
      %and3A_122 = arith.constant 7 : i32
      %and3A_123 = arith.andi %add3A_93, %and3A_122 : i32
      %mul3A_124 = arith.constant 4 : i32
      %mul3A_125 = arith.muli %and3A_123, %mul3A_124 : i32
      %dma_start3A_126 = arith.constant 0 : i32
      %dma_start3A_127 = arith.constant 0 : i32
      %dma_start3A_128 = tpu.memref_slice %arg4[%shift_right_logical3A_121, %dma_start3A_126, %mul3A_125, %dma_start3A_127] : memref<200x32x32x128xf32, #tpu.memory_space<hbm>> -> memref<1x32x4x128xf32, #tpu.memory_space<hbm>>
      %dma_start3A_129 = tpu.memref_squeeze %dma_start3A_128 : memref<1x32x4x128xf32, #tpu.memory_space<hbm>> -> memref<32x4x128xf32, #tpu.memory_space<hbm>>
      %dma_start3A_130 = arith.constant 0 : i32
      %dma_start3A_131 = arith.constant 0 : i32
      %dma_start3A_132 = tpu.memref_slice %arg4[%shift_right_logical3A_121, %dma_start3A_130, %mul3A_125, %dma_start3A_131] : memref<200x32x32x128xf32, #tpu.memory_space<hbm>> -> memref<1x32x4x128xf32, #tpu.memory_space<hbm>>
      %dma_start3A_133 = tpu.memref_squeeze %dma_start3A_132 : memref<1x32x4x128xf32, #tpu.memory_space<hbm>> -> memref<32x4x128xf32, #tpu.memory_space<hbm>>
      tpu.enqueue_dma source(%arg10 : memref<32x4x128xf32, #tpu.memory_space<vmem>>) target(%dma_start3A_133 : memref<32x4x128xf32, #tpu.memory_space<hbm>>) target_semaphore(%arg14 : memref<!tpu.dma_semaphore, #tpu.memory_space<semaphore_mem>>)
    }
    %scan3A_24 = arith.constant 25 : i32
    %dma_wait3A_25 = arith.constant 0 : i32
    %dma_wait3A_26 = arith.constant 0 : i32
    %dma_wait3A_27 = arith.constant 0 : i32
    %dma_wait3A_28 = arith.constant 0 : i32
    %dma_wait3A_29 = tpu.memref_slice %arg4[%dma_wait3A_25, %dma_wait3A_26, %dma_wait3A_27, %dma_wait3A_28] : memref<200x32x32x128xf32, #tpu.memory_space<hbm>> -> memref<1x32x4x128xf32, #tpu.memory_space<hbm>>
    %dma_wait3A_30 = tpu.memref_squeeze %dma_wait3A_29 : memref<1x32x4x128xf32, #tpu.memory_space<hbm>> -> memref<32x4x128xf32, #tpu.memory_space<hbm>>
    %dma_wait3A_31 = arith.constant 0 : i32
    %dma_wait3A_32 = arith.constant 0 : i32
    %dma_wait3A_33 = arith.constant 0 : i32
    %dma_wait3A_34 = tpu.memref_slice %arg4[%dma_wait3A_25, %dma_wait3A_31, %dma_wait3A_32, %dma_wait3A_33] : memref<200x32x32x128xf32, #tpu.memory_space<hbm>> -> memref<1x32x4x128xf32, #tpu.memory_space<hbm>>
    %dma_wait3A_35 = tpu.memref_squeeze %dma_wait3A_34 : memref<1x32x4x128xf32, #tpu.memory_space<hbm>> -> memref<32x4x128xf32, #tpu.memory_space<hbm>>
    tpu.wait_dma2 semaphore(%arg13 : memref<!tpu.dma_semaphore, #tpu.memory_space<semaphore_mem>>) src(%arg9 : memref<32x4x128xf32, #tpu.memory_space<vmem>>) dst(%dma_wait3A_35 : memref<32x4x128xf32, #tpu.memory_space<hbm>>)
    %dma_wait3A_36 = arith.constant 0 : i32
    %dma_wait3A_37 = arith.constant 0 : i32
    %dma_wait3A_38 = arith.constant 0 : i32
    %dma_wait3A_39 = arith.constant 0 : i32
    %dma_wait3A_40 = tpu.memref_slice %arg4[%dma_wait3A_36, %dma_wait3A_37, %dma_wait3A_38, %dma_wait3A_39] : memref<200x32x32x128xf32, #tpu.memory_space<hbm>> -> memref<1x32x4x128xf32, #tpu.memory_space<hbm>>
    %dma_wait3A_41 = tpu.memref_squeeze %dma_wait3A_40 : memref<1x32x4x128xf32, #tpu.memory_space<hbm>> -> memref<32x4x128xf32, #tpu.memory_space<hbm>>
    %dma_wait3A_42 = arith.constant 0 : i32
    %dma_wait3A_43 = arith.constant 0 : i32
    %dma_wait3A_44 = arith.constant 0 : i32
    %dma_wait3A_45 = tpu.memref_slice %arg4[%dma_wait3A_36, %dma_wait3A_42, %dma_wait3A_43, %dma_wait3A_44] : memref<200x32x32x128xf32, #tpu.memory_space<hbm>> -> memref<1x32x4x128xf32, #tpu.memory_space<hbm>>
    %dma_wait3A_46 = tpu.memref_squeeze %dma_wait3A_45 : memref<1x32x4x128xf32, #tpu.memory_space<hbm>> -> memref<32x4x128xf32, #tpu.memory_space<hbm>>
    tpu.wait_dma2 semaphore(%arg14 : memref<!tpu.dma_semaphore, #tpu.memory_space<semaphore_mem>>) src(%arg10 : memref<32x4x128xf32, #tpu.memory_space<vmem>>) dst(%dma_wait3A_46 : memref<32x4x128xf32, #tpu.memory_space<hbm>>)
    return
  }
}

</mosaic_0001>

<sc_bundles>
// kernel: _embed.3.cloned.1.call-start
scs
__scs_entry_jumppad:
0x0: {  	(pc) =	sbr.rel $0x88, $3  }
0x1: {  	(tag) =	ssettag $0x0;
	lr =	simm.s32 $0x1  }
0x2: {  	[smem:$0x3F9F] =	sst lr;
	_ =	strace $0xD0000000  }
0x3: {  	_ = 	snop  }
0x4: {  	_ = 	snop  }
0x5: {  	_ = 	snop  }
0x6: {  	_ = 	snop  }
0x7: {  	_ = 	snop  }
__scs_overlays_trampoline_lowered:
0x8: {  	[smem:$0x3FAE] =	sst s0  }
0x9: {  	[smem:$0x3FAF] =	sst s1  }
0xa: {  	[smem:$0x3FB0] =	sst s2  }
0xb: {  	[smem:$0x3FB1] =	sst s3  }
0xc: {  	[smem:$0x3FB2] =	sst s4  }
0xd: {  	[smem:$0x3FB3] =	sst s5  }
0xe: {  	[smem:$0x3FB4] =	sst s6  }
0xf: {  	[smem:$0x3FB5] =	sst s7  }
0x10: {  	[smem:$0x3FB6] =	sst s8  }
0x11: {  	[smem:$0x3FB7] =	sst s9;
	s0 =	simm.s32 @!p0 $0x0  }
0x12: {  	s1 =	sld [smem:$0x3F9D];
	s0 =	simm.s32 @p0 $0x1  }
0x13: {  	[smem:$0x3FB8] =	sst s0;
	s0 =	simm.s32 @!p1 $0x0  }
0x14: {  	s2 =	sld [smem:$0x3F9C];
	s0 =	simm.s32 @p1 $0x1  }
0x15: {  	[smem:$0x3FB9] =	sst s0;
	s0 =	simm.s32 @!p2 $0x0  }
0x16: {  	s3 =	sld [smem:$0x3FDB];
	s0 =	simm.s32 @p2 $0x1  }
0x17: {  	s4 =	simm.s32 $0x1BF5;
	[smem:$0x3FBB] =	sst s0  }
0x18: {  	s0 =	sld [smem:$0x3F9E];
	_ =	swait.ge [sflag:s4], $0x0  }
0x19: {  	s7 =	sld [smem:$0x3F9F]  }
0x1a: {  	s8 =	sadd.s32 $0xFFFFE003, lr  }
0x1b: {  	s9 =	sadd.s32 $0xFFFFFEF7, lr;
	s5 =	simm.s32 $0xFFFFFFFF;
	p2 =	slt.u32 s8, $0xFFFFF086  }
0x1c: {  	p1 =	slt.u32 s9, $0xF7A;
	s5 =	simm.s32 @!p2 $0x0  }
0x1d: {  	s5 =	simm.s32 @p1 $0x1;
	p0 =	seq.s32 s7, s2  }
0x1e: {  	s7 =	smul.u32 @!p0 $0xF7A, s2;
	p2 =	seq.s32 @!p0 s5, $0x0  }
0x1f: {  	s9 =	smul.u32 $0xF7A, s1;
	s8 =	simm.s32 @!p0 $0x1BF5;
	p2 =	por !p2, p0  }
0x20: {  	[sflag:s8] =	ssyncset.s32 @!p0 $0xFFFFF086;
	s6 =	sadd.s32 @!p0 s3, s7;
	s7 =	simm.s32 @!p0 $0x108  }
0x21: {  	s3 =	sadd.s32 s3, s9;
	s6 =	sadd.s32 @!p0 $0x88, s6;
	s7 =	simm.s32 @p2 $0x1082  }
0x22: {  	[simem:s7], [sflag:s8] =	dma.local @!p0 [hbm:s6], $0xF7A  }
0x23: {  	s9 =	sor.u32 $0xD0000000, s2;
	s6 =	simm.s32 $0x108;
	_ =	swait.ge @!p0 [sflag:s8], $0x0  }
0x24: {  	s3 =	sadd.s32 $0x88, s3;
	s6 =	simm.s32 @!p1 $0x1082;
	[sflag:s4] =	ssyncset.s32 $0xFFFFF086  }
0x25: {  	[simem:s6], [sflag:s4] =	dma.local [hbm:s3], $0xF7A  }
0x26: {  	[smem:$0x3F9F] =	sst s1;
	(tag) =	ssettag s2;
	_ =	strace s9  }
0x27: {  	s1 =	sld [smem:$0x3FAF]  }
0x28: {  	s2 =	sld [smem:$0x3FB0]  }
0x29: {  	s4 =	sld [smem:$0x3FB2]  }
0x2a: {  	p0 =	seq.s32 s5, $0x0;
	s5 =	sld [smem:$0x3FB3]  }
0x2b: {  	s6 =	sld [smem:$0x3FB4]  }
0x2c: {  	s7 =	sld [smem:$0x3FB5]  }
0x2d: {  	s3 =	simm.s32 $0x108;
	s8 =	sld [smem:$0x3FB6]  }
0x2e: {  	s3 =	simm.s32 @!p0 $0x1082;
	s9 =	sld [smem:$0x3FB7]  }
0x2f: {  	lr =	sadd.s32 s0, s3;
	s0 =	sld [smem:$0x3FAE]  }
0x30: {  	s3 =	sld [smem:$0x3FB1]  }
0x31: {  	[smem:$0x3FBA] =	sst s10  }
0x32: {  	s10 =	sld [smem:$0x3FB8];
	_ =	sdelay $0x3  }
0x33: {  	p0 =	seq.s32 s10, $0x1;
	s10 =	sld [smem:$0x3FBA];
	_ =	sdelay $0x3  }
0x34: {  	[smem:$0x3FBA] =	sst s10  }
0x35: {  	s10 =	sld [smem:$0x3FB9];
	_ =	sdelay $0x3  }
0x36: {  	p1 =	seq.s32 s10, $0x1;
	s10 =	sld [smem:$0x3FBA];
	_ =	sdelay $0x3  }
0x37: {  	[smem:$0x3FBA] =	sst s10  }
0x38: {  	s10 =	sld [smem:$0x3FBB]  }
0x39: {  	_ = 	snop;
	(pc) =	sbr.ind lr, $3  }
0x3a: {  	_ = 	snop  }
0x3b: {  	_ = 	snop  }
0x3c: {  	p2 =	seq.s32 s10, $0x1;
	s10 =	sld [smem:$0x3FBA]  }
0x3d: {  	_ =	shalt  }
0x3e: {  	_ =	shalt  }
0x3f: {  	_ =	shalt  }
0x40: {  	_ =	shalt  }
0x41: {  	_ =	shalt  }
0x42: {  	_ =	shalt  }
0x43: {  	_ =	shalt  }
0x44: {  	_ =	shalt  }
0x45: {  	_ =	shalt  }
0x46: {  	_ =	shalt  }
0x47: {  	_ =	shalt  }
0x48: {  	_ =	shalt  }
0x49: {  	_ =	shalt  }
0x4a: {  	_ =	shalt  }
0x4b: {  	_ =	shalt  }
0x4c: {  	_ =	shalt  }
0x4d: {  	_ =	shalt  }
0x4e: {  	_ =	shalt  }
0x4f: {  	_ =	shalt  }
0x50: {  	_ =	shalt  }
0x51: {  	_ =	shalt  }
0x52: {  	_ =	shalt  }
0x53: {  	_ =	shalt  }
0x54: {  	_ =	shalt  }
0x55: {  	_ =	shalt  }
0x56: {  	_ =	shalt  }
0x57: {  	_ =	shalt  }
0x58: {  	_ =	shalt  }
0x59: {  	_ =	shalt  }
0x5a: {  	_ =	shalt  }
0x5b: {  	_ =	shalt  }
0x5c: {  	_ =	shalt  }
0x5d: {  	_ =	shalt  }
0x5e: {  	_ =	shalt  }
0x5f: {  	_ =	shalt  }
0x60: {  	_ =	shalt  }
0x61: {  	_ =	shalt  }
0x62: {  	_ =	shalt  }
0x63: {  	_ =	shalt  }
0x64: {  	_ =	shalt  }
0x65: {  	_ =	shalt  }
0x66: {  	_ =	shalt  }
0x67: {  	_ =	shalt  }
0x68: {  	_ =	shalt  }
0x69: {  	_ =	shalt  }
0x6a: {  	_ =	shalt  }
0x6b: {  	_ =	shalt  }
0x6c: {  	_ =	shalt  }
0x6d: {  	_ =	shalt  }
0x6e: {  	_ =	shalt  }
0x6f: {  	_ =	shalt  }
0x70: {  	_ =	shalt  }
0x71: {  	_ =	shalt  }
0x72: {  	_ =	shalt  }
0x73: {  	_ =	shalt  }
0x74: {  	_ =	shalt  }
0x75: {  	_ =	shalt  }
0x76: {  	_ =	shalt  }
0x77: {  	_ =	shalt  }
0x78: {  	_ =	shalt  }
0x79: {  	_ =	shalt  }
0x7a: {  	_ =	shalt  }
0x7b: {  	_ =	shalt  }
0x7c: {  	_ =	shalt  }
0x7d: {  	_ =	shalt  }
0x7e: {  	_ =	shalt  }
0x7f: {  	_ =	shalt  }
0x80: {  	_ =	shalt  }
0x81: {  	_ =	shalt  }
0x82: {  	_ =	shalt  }
0x83: {  	_ =	shalt  }
0x84: {  	_ =	shalt  }
0x85: {  	_ =	shalt  }
0x86: {  	_ =	shalt  }
0x87: {  	_ =	shalt  }
.Lfunc_end0:
.L_simem_size_0:
called_computation_lowered:
.L_overlay_start_0:
0x88: {  	s2 =	sld [smem:$0x3FD9]  }
0x89: {  	s3 =	sld [smem:$0x3FFE];
	_ =	sdelay $0x1  }
0x8a: {  	s1 =	srdreg.scid  }
0x8b: {  	s0 =	sand.u32 $0x1, s1  }
0x8c: {  	s17 =	sshll.u32 s0, $0xA;
	s2 =	sadd.s32 s3, s2  }
0x8d: {  	s2 =	sadd.s32 s2, s17  }
0x8e: {  	[smem:$0x3FC6] =	sst s2  }
0x8f: {  	_ = 	snop  }
0x90: {  	s2 =	sld [smem:$0x3FC9]  }
0x91: {  	s18 =	sld [smem:$0x3FD0];
	(tm) =	ssettm $0x1  }
0x92: {  	s4 =	sld [smem:$0x3FFB];
	_ =	sdelay $0x3  }
0x93: {  	_ =	strace s4  }
0x94: {  	s4 =	sld [smem:$0x3FFC];
	_ =	sdelay $0x3  }
0x95: {  	_ =	strace s4  }
0x96: {  	s4 =	sld [smem:$0x3FFD];
	_ =	sdelay $0x3  }
0x97: {  	_ =	strace s4  }
0x98: {  	_ =	strace $0x8FFFFFFF  }
0x99: {  	s19 =	sld [smem:$0x3FDB];
	_ =	sdelay $0x1  }
0x9a: {  	s5 =	simm.s32 $_scs_section_size  }
0x9b: {  	s6 =	simm.s32 $_size__tile_overlayer_lowered;
	s7 =	simm.s32 $_tile_overlayer_lowered  }
0x9c: {  	s22 =	simm.s32 $0x1BFF;
	s21 =	sshll.u32 s7, $0x1;
	s4 =	sadd.s32 s5, s19  }
0x9d: {  	s8 =	simm.s32 $0x0;
	s20 =	sshll.u32 s6, $0x1;
	s6 =	sadd.s32 s21, s4  }
0x9e: {  	[timem:s8], [sflag:s22] =	dma.local [hbm:s6], s20  }
0x9f: {  	_ =	swait.ge [sflag:s22], s20  }
0xa0: {  	s5 =	ssub.s32 $0x0, s20;
	[sflag:s22] =	ssyncset.done $0x0  }
0xa1: {  	[sflag:s22] =	ssyncadd.s32 s5;
	_ =	sdelay $0x1  }
0xa2: {  	s23 =	simm.s32 $0x1B8B  }
0xa3: {  	_ =	swait.ge [sflag:s23], $0x1  }
0xa4: {  	[sflag:s23] =	ssyncset.done $0x0  }
0xa5: {  	s25 =	simm.s32 $0x1B8E;
	s24 =	sld [smem:$0x3FFE];
	[sflag:s23] =	ssyncadd.s32 $0xFFFFFFFF  }
0xa6: {  	s26 =	simm.s32 $execute0_lowered;
	[smem:$0x3FD2] =	sst s25  }
0xa7: {  	s6 =	sshll.u32 s26, $0x1;
	_ =	strace $0x80000046;
	[dreg:$0x1] =	wrdreg $0xFFFFFFFF  }
0xa8: {  	s28 =	simm.s32 $_size_execute0_lowered;
	s4 =	sadd.s32 s4, s6;
	[dreg:$0x0] =	wrdreg $0x0  }
0xa9: {  	s6 =	sshll.u32 s28, $0x1;
	[dreg:$0x2] =	wrdreg s4  }
0xaa: {  	[dreg:$0x3] =	wrdreg s6  }
0xab: {  	[dreg:$0x4] =	wrdreg $0xC0  }
0xac: {  	_ =	task [dreg:s8], $0x5FFFF  }
0xad: {  	[dreg:$0x1] =	wrdreg $0xFFFFFFFF  }
0xae: {  	[dreg:$0x0] =	wrdreg $0x60  }
0xaf: {  	[dreg:$0x2] =	wrdreg s2  }
0xb0: {  	[dreg:$0x3] =	wrdreg s24  }
0xb1: {  	[dreg:$0x4] =	wrdreg s18  }
0xb2: {  	[dreg:$0x5] =	wrdreg $0x9  }
0xb3: {  	_ =	task.clear_ibuf [dreg:s8], $0x6FFFF;
	_ =	strace $0x90000046  }
0xb4: {  	s29 =	simm.s32 $0x9;
	_ =	strace $0x80000048  }
0xb5: {  	_ =	swait.ge [sflag:s29], $0x1  }
0xb6: {  	[sflag:s29] =	ssyncadd.s32 $0xFFFFFFFF  }
0xb7: {  	_ =	strace $0x90000048  }
0xb8: {  	_ =	sfence  }
0xb9: {  	s30 =	sld [smem:$0x0];
	_ =	sdelay $0x2  }
0xba: {  	s31 =	sshll.u32 s1, $0xD;
	s1 =	sshrl.u32 s1, $0x2  }
0xbb: {  	s3 =	sand.u32 $0x4000, s31;
	s1 =	sadd.s32 s1, s30  }
0xbc: {  	s0 =	sor.u32 s3, s0;
	s1 =	sshll.u32 s1, $0x11  }
0xbd: {  	s0 =	sor.u32 s1, s0  }
0xbe: {  	s0 =	sadd.s32 $0x8F2B, s0  }
0xbf: {  	[sflag:s0] =	ssyncadd.remote.s32 $0x1  }
0xc0: {  	_ =	sfence.sel $0xFFFF  }
0xc1: {  	[dreg:$0x0] =	wrdreg $0xFFFFFFFF;
	(pc) =	sbr.abs _section_cstart, $3  }
0xc2: {  	[dreg:$0x1] =	wrdreg $0xFFFFFFFF  }
0xc3: {  	_ =	task.clear_ibuf [dreg:s8], $0x2FFFF;
	_ =	strace $0x9FFFFFFF  }
0xc4: {  	(tm) =	ssettm $0x7FFFFFFF  }
0xc5: {  	_ =	shalt  }
tec
execute0_lowered:
.L_overlay_start_1:
0x0: {  	(tag) =	ssettag $0x1  }
0x1: {  	v33 =	vlaneseq.u32;
	vm12 =	vcmask $0x300;
	v1 =	vimm.s32 $0xF  }
0x2: {  	vm14 =	vcmask $0x704;
	v2 =	vimm.s32 $0x87654321;
	vm15 =	vcmask $0xB08  }
0x3: {  	vm13 =	vcmask $0xF0C;
	vm11 =	vcmask $0x1310;
	v1 =	vsel vm12, $0x200, v1  }
0x4: {  	vm10 =	vcmask $0x1714;
	vm9 =	vcmask $0x1B18;
	v1 =	vsel vm14, $0x401, v1  }
0x5: {  	vm8 =	vcmask $0x1F1C;
	v2 =	vunpack.c.l.s4.s8 v2;
	v1 =	vsel vm15, $0x602, v1  }
0x6: {  	vm7 =	vcmask $0x2320;
	v4 =	vimm.s32 $0x20F;
	v3 =	vsel vm13, $0x803, v1  }
0x7: {  	vm6 =	vcmask $0x2724;
	v1 =	vunpack.c.0.s8.s32 v2;
	v2 =	vsel vm11, $0xA04, v3  }
0x8: {  	vm5 =	vcmask $0x2B28;
	vm4 =	vcmask $0x2F2C;
	v2 =	vsel vm10, $0xC05, v2  }
0x9: {  	vm3 =	vcmask $0x3330;
	vm1 =	vcmask $0x3734;
	v2 =	vsel vm9, $0xE06, v2  }
0xa: {  	vm2 =	vcmask $0x3B38;
	v0 =	vmul.u32 $0x20, v33;
	v2 =	vsel vm8, $0x1007, v2  }
0xb: {  	v5 =	vimm.s32 $0x10FEDCBA;
	v4 =	vsel vm12, $0x400, v4;
	v2 =	vsel vm7, $0x1208, v2  }
0xc: {  	v4 =	vsel vm14, $0x601, v4;
	[tilespmem:$0x1FB90] =	vst v0;
	v0 =	vimm.s32 $0xFEDCBA9;
	v2 =	vsel vm6, $0x1409, v2  }
0xd: {  	v4 =	vsel vm15, $0x802, v4;
	v0 =	vunpack.c.l.s4.s8 v0;
	v2 =	vsel vm5, $0x160A, v2  }
0xe: {  	v7 =	vimm.s32 $0x40F;
	v4 =	vsel vm13, $0xA03, v4;
	v2 =	vsel vm4, $0x180B, v2  }
0xf: {  	v4 =	vsel vm11, $0xC04, v4;
	v0 =	vunpack.c.0.s8.s32 v0;
	v2 =	vsel vm3, $0x1A0C, v2  }
0x10: {  	v10 =	vimm.s32 $0xBA987654;
	v4 =	vsel vm10, $0xE05, v4;
	v2 =	vsel vm1, $0x1C0D, v2  }
0x11: {  	v6 =	vsel vm9, $0x1006, v4;
	v3 =	vcombine.low v1, v0;
	v2 =	vsel vm2, $0x1E0E, v2  }
0x12: {  	v9 =	vmul.u32 $0x201, v33;
	[tilespmem:$0x1FBB0] =	vst v2;
	v2 =	vunpack.c.l.s4.s8 v5;
	v5 =	vsel vm8, $0x1207, v6  }
0x13: {  	v3 =	vand.u32 $0xF, v3;
	v6 =	vimm.s32 $0x98765432;
	v5 =	vsel vm7, $0x1408, v5  }
0x14: {  	v7 =	vsel vm12, $0x600, v7;
	v6 =	vunpack.c.l.s4.s8 v6;
	v5 =	vsel vm6, $0x1609, v5  }
0x15: {  	v20 =	vunpack.c.0.s8.s32 v2;
	v2 =	vsel vm5, $0x180A, v5;
	v5 =	vsel vm14, $0x801, v7  }
0x16: {  	v10 =	vunpack.c.l.s4.s8 v10;
	[tilespmem:$0x1FBA0] =	vst v3;
	v3 =	vmovc v9;
	v9 =	vimm.s32 $0x60F;
	v5 =	vsel vm15, $0xA02, v5  }
0x17: {  	v21 =	vunpack.c.0.s8.s32 v6;
	v6 =	vimm.s32 $0x210FEDCB;
	v5 =	vsel vm13, $0xC03, v5  }
0x18: {  	v7 =	vimm.s32 $0xA9876543;
	v6 =	vunpack.c.l.s4.s8 v6;
	v5 =	vsel vm11, $0xE04, v5  }
0x19: {  	v2 =	vsel vm4, $0x1A0B, v2;
	v7 =	vunpack.c.l.s4.s8 v7;
	v5 =	vsel vm10, $0x1005, v5  }
0x1a: {  	v8 =	vcombine.low v21, v20;
	v22 =	vunpack.c.0.s8.s32 v6;
	v6 =	vsel vm9, $0x1206, v5  }
0x1b: {  	v2 =	vsel vm3, $0x1C0C, v2;
	v23 =	vunpack.c.0.s8.s32 v7;
	v6 =	vsel vm8, $0x1407, v6  }
0x1c: {  	v2 =	vsel vm1, $0x1E0D, v2;
	v4 =	vand.u32 $0xF, v8;
	v8 =	vsel vm7, $0x1608, v6  }
0x1d: {  	v49 =	vsel vm2, $0xE, v2;
	v2 =	vsel vm6, $0x1809, v8;
	v8 =	vsel vm12, $0x800, v9  }
0x1e: {  	v25 =	vunpack.c.0.s8.s32 v10;
	v8 =	vsel vm14, $0xA01, v8  }
0x1f: {  	v7 =	vcombine.low v23, v22;
	v9 =	vimm.s32 $0x3210FEDC;
	v8 =	vsel vm15, $0xC02, v8  }
0x20: {  	v2 =	vsel vm5, $0x1A0A, v2;
	v9 =	vunpack.c.l.s4.s8 v9;
	v8 =	vsel vm13, $0xE03, v8  }
0x21: {  	v5 =	vand.u32 $0xF, v7;
	v2 =	vsel vm4, $0x1C0B, v2;
	v8 =	vsel vm11, $0x1004, v8  }
0x22: {  	v24 =	vunpack.c.0.s8.s32 v9;
	v9 =	vimm.s32 $0x80F;
	v8 =	vsel vm10, $0x1205, v8  }
0x23: {  	v2 =	vsel vm3, $0x1E0C, v2;
	v9 =	vsel vm12, $0xA00, v9;
	v8 =	vsel vm9, $0x1406, v8  }
0x24: {  	v2 =	vsel vm1, $0xD, v2;
	v9 =	vsel vm14, $0xC01, v9;
	v8 =	vsel vm8, $0x1607, v8  }
0x25: {  	v10 =	vcombine.low v25, v24;
	v9 =	vsel vm15, $0xE02, v9;
	v11 =	vsel vm7, $0x1808, v8  }
0x26: {  	v7 =	vsel vm2, $0x20E, v2;
	v2 =	vsel vm6, $0x1A09, v11;
	v11 =	vsel vm13, $0x1003, v9  }
0x27: {  	v8 =	vand.u32 $0xF, v10;
	v10 =	vsel vm11, $0x1204, v11  }
0x28: {  	v12 =	vimm.s32 $0xCBA98765;
	v10 =	vsel vm10, $0x1405, v10  }
0x29: {  	v2 =	vsel vm5, $0x1C0A, v2;
	v11 =	vimm.s32 $0x43210FED;
	v10 =	vsel vm9, $0x1606, v10  }
0x2a: {  	v2 =	vsel vm4, $0x1E0B, v2;
	v11 =	vunpack.c.l.s4.s8 v11;
	v10 =	vsel vm8, $0x1807, v10  }
0x2b: {  	v14 =	vimm.s32 $0x543210FE;
	v2 =	vsel vm3, $0xC, v2;
	v10 =	vsel vm7, $0x1A08, v10  }
0x2c: {  	v26 =	vunpack.c.0.s8.s32 v11;
	v11 =	vimm.s32 $0xA0F;
	v10 =	vsel vm6, $0x1C09, v10  }
0x2d: {  	v2 =	vsel vm1, $0x20D, v2;
	v11 =	vsel vm12, $0xC00, v11;
	v10 =	vsel vm5, $0x1E0A, v10  }
0x2e: {  	v2 =	vsel vm2, $0x40E, v2;
	v11 =	vsel vm14, $0xE01, v11;
	v13 =	vsel vm4, $0xB, v10  }
0x2f: {  	v15 =	vimm.s32 $0xDCBA9876;
	[tilespmem:$0x1FBC0] =	vst v2;
	v11 =	vsel vm15, $0x1002, v11;
	v2 =	vsel vm3, $0x20C, v13  }
0x30: {  	v17 =	vimm.s32 $0xE0F;
	v13 =	vsel vm13, $0x1203, v11;
	v2 =	vsel vm1, $0x40D, v2  }
0x31: {  	v18 =	vimm.s32 $0x76543210;
	v13 =	vsel vm11, $0x1404, v13;
	v2 =	vsel vm2, $0x60E, v2  }
0x32: {  	v19 =	vimm.s32 $0xFEDCBA98;
	[tilespmem:$0x1FBE0] =	vst v2;
	v2 =	vsel vm10, $0x1605, v13;
	v13 =	vimm.s32 $0xC0F  }
0x33: {  	v12 =	vunpack.c.l.s4.s8 v12;
	v14 =	vunpack.c.l.s4.s8 v14;
	v13 =	vsel vm12, $0xE00, v13  }
0x34: {  	v15 =	vunpack.c.l.s4.s8 v15;
	v19 =	vunpack.c.l.s4.s8 v19;
	v13 =	vsel vm14, $0x1001, v13  }
0x35: {  	v18 =	vunpack.c.l.s4.s8 v18;
	v27 =	vunpack.c.0.s8.s32 v12;
	v13 =	vsel vm15, $0x1202, v13  }
0x36: {  	v28 =	vunpack.c.0.s8.s32 v14;
	v29 =	vunpack.c.0.s8.s32 v15;
	v13 =	vsel vm13, $0x1403, v13  }
0x37: {  	v14 =	vimm.s32 $0x6543210F;
	v2 =	vsel vm9, $0x1806, v2;
	v13 =	vsel vm11, $0x1604, v13  }
0x38: {  	v15 =	vimm.s32 $0xEDCBA987;
	v2 =	vsel vm8, $0x1A07, v2;
	v13 =	vsel vm10, $0x1805, v13  }
0x39: {  	v14 =	vunpack.c.l.s4.s8 v14;
	v2 =	vsel vm7, $0x1C08, v2;
	v13 =	vsel vm9, $0x1A06, v13  }
0x3a: {  	v16 =	vcombine.low v29, v28;
	v2 =	vsel vm6, $0x1E09, v2;
	v13 =	vsel vm8, $0x1C07, v13  }
0x3b: {  	v12 =	vcombine.low v27, v26;
	v2 =	vsel vm5, $0xA, v2;
	v13 =	vsel vm7, $0x1E08, v13  }
0x3c: {  	v30 =	vunpack.c.0.s8.s32 v14;
	v2 =	vsel vm4, $0x20B, v2;
	v14 =	vsel vm6, $0x9, v13  }
0x3d: {  	v9 =	vand.u32 $0xF, v12;
	v2 =	vsel vm3, $0x40C, v2;
	v14 =	vsel vm5, $0x20A, v14  }
0x3e: {  	[tilespmem:$0x1FBD0] =	vst v9;
	v9 =	vand.u32 $0xF, v16;
	v2 =	vsel vm1, $0x60D, v2;
	v16 =	vsel vm4, $0x40B, v14  }
0x3f: {  	v35 =	vsel vm2, $0x80E, v2;
	v2 =	vsel vm3, $0x60C, v16;
	v16 =	vsel vm12, $0x1000, v17  }
0x40: {  	v19 =	vunpack.c.0.s8.s32 v19;
	v2 =	vsel vm1, $0x80D, v2;
	v17 =	vsel vm14, $0x1201, v16  }
0x41: {  	v46 =	vsel vm2, $0xA0E, v2;
	v2 =	vsel vm15, $0x1402, v17;
	v17 =	vimm.s32 $0x100F  }
0x42: {  	v18 =	vunpack.c.0.s8.s32 v18;
	v15 =	vunpack.c.l.s4.s8 v15;
	v17 =	vsel vm12, $0x1200, v17  }
0x43: {  	v19 =	vand.u32 $0xF, v19;
	v2 =	vsel vm13, $0x1603, v2;
	v17 =	vsel vm14, $0x1401, v17  }
0x44: {  	v31 =	vunpack.c.0.s8.s32 v15;
	v2 =	vsel vm11, $0x1804, v2;
	v17 =	vsel vm15, $0x1602, v17  }
0x45: {  	v45 =	vcombine.low v19, v18;
	v2 =	vsel vm10, $0x1A05, v2;
	v17 =	vsel vm13, $0x1803, v17  }
0x46: {  	v19 =	vimm.s32 $0x120F;
	v2 =	vsel vm9, $0x1C06, v2;
	v17 =	vsel vm11, $0x1A04, v17  }
0x47: {  	v19 =	vsel vm12, $0x1400, v19;
	v2 =	vsel vm8, $0x1E07, v2;
	v17 =	vsel vm10, $0x1C05, v17  }
0x48: {  	v15 =	vcombine.low v31, v30;
	v2 =	vsel vm7, $0x8, v2;
	v32 =	vsel vm9, $0x1E06, v17  }
0x49: {  	v19 =	vsel vm14, $0x1601, v19;
	v2 =	vsel vm6, $0x209, v2;
	v18 =	vsel vm8, $0x7, v32  }
0x4a: {  	v0 =	vcombine.low v0, v1;
	v2 =	vsel vm5, $0x40A, v2;
	v18 =	vsel vm7, $0x208, v18  }
0x4b: {  	v19 =	vsel vm15, $0x1802, v19;
	v2 =	vsel vm4, $0x60B, v2;
	v18 =	vsel vm6, $0x409, v18  }
0x4c: {  	v36 =	vand.u32 $0xF, v15;
	v2 =	vsel vm3, $0x80C, v2;
	v18 =	vsel vm5, $0x60A, v18  }
0x4d: {  	v23 =	vcombine.low v22, v23;
	v2 =	vsel vm1, $0xA0D, v2;
	v1 =	vsel vm4, $0x80B, v18  }
0x4e: {  	v12 =	vsel vm2, $0xC0E, v2;
	v2 =	vsel vm13, $0x1A03, v19;
	v1 =	vsel vm3, $0xA0C, v1  }
0x4f: {  	v14 =	vand.u32 $0xF, v0;
	v0 =	vsel vm1, $0xC0D, v1;
	v1 =	vsel vm11, $0x1C04, v2  }
0x50: {  	v2 =	vcombine.low v20, v21;
	v21 =	vimm.s32 $0x140F;
	v1 =	vsel vm10, $0x1E05, v1  }
0x51: {  	v15 =	vsel vm2, $0xE0E, v0;
	v0 =	vsel vm9, $0x6, v1;
	v1 =	vsel vm12, $0x1600, v21  }
0x52: {  	v25 =	vcombine.low v24, v25;
	v16 =	vand.u32 $0xF, v2;
	v1 =	vsel vm14, $0x1801, v1  }
0x53: {  	v2 =	vimm.s32 $0x160F;
	v0 =	vsel vm8, $0x207, v0;
	v1 =	vsel vm15, $0x1A02, v1  }
0x54: {  	v2 =	vsel vm12, $0x1800, v2;
	v0 =	vsel vm7, $0x408, v0;
	v1 =	vsel vm13, $0x1C03, v1  }
0x55: {  	v2 =	vsel vm14, $0x1A01, v2;
	v0 =	vsel vm6, $0x609, v0;
	v1 =	vsel vm11, $0x1E04, v1  }
0x56: {  	v2 =	vsel vm15, $0x1C02, v2;
	v0 =	vsel vm5, $0x80A, v0;
	v1 =	vsel vm10, $0x5, v1  }
0x57: {  	v2 =	vsel vm13, $0x1E03, v2;
	v0 =	vsel vm4, $0xA0B, v0;
	v1 =	vsel vm9, $0x206, v1  }
0x58: {  	v2 =	vsel vm11, $0x4, v2;
	v0 =	vsel vm3, $0xC0C, v0;
	v1 =	vsel vm8, $0x407, v1  }
0x59: {  	v2 =	vsel vm10, $0x205, v2;
	v0 =	vsel vm1, $0xE0D, v0;
	v1 =	vsel vm7, $0x608, v1  }
0x5a: {  	v17 =	vsel vm2, $0x100E, v0;
	v0 =	vsel vm6, $0x809, v1;
	v1 =	vsel vm9, $0x406, v2  }
0x5b: {  	v2 =	vand.u32 $0xF, v23;
	v0 =	vsel vm5, $0xA0A, v0;
	v1 =	vsel vm8, $0x607, v1  }
0x5c: {  	[tilespmem:$0x1FC00] =	vst v2;
	v2 =	vimm.s32 $0x180F;
	v0 =	vsel vm4, $0xC0B, v0;
	v1 =	vsel vm7, $0x808, v1  }
0x5d: {  	v2 =	vsel vm12, $0x1A00, v2;
	v0 =	vsel vm3, $0xE0C, v0;
	v1 =	vsel vm6, $0xA09, v1  }
0x5e: {  	v2 =	vsel vm14, $0x1C01, v2;
	v0 =	vsel vm1, $0x100D, v0;
	v1 =	vsel vm5, $0xC0A, v1  }
0x5f: {  	v2 =	vsel vm15, $0x1E02, v2;
	v1 =	vsel vm4, $0xE0B, v1;
	v0 =	vsel vm2, $0x120E, v0  }
0x60: {  	[tilespmem:$0x1FC10] =	vst v0;
	v0 =	vsel vm3, $0x100C, v1;
	v1 =	vsel vm13, $0x3, v2;
	v2 =	vand.u32 $0xF, v25  }
0x61: {  	[tilespmem:$0x1FC20] =	vst v2;
	v0 =	vsel vm1, $0x120D, v0;
	v1 =	vsel vm11, $0x204, v1;
	v2 =	vcombine.low v26, v27  }
0x62: {  	v27 =	vimm.s32 $0x1A0F;
	v1 =	vsel vm10, $0x405, v1;
	v0 =	vsel vm2, $0x140E, v0  }
0x63: {  	[tilespmem:$0x1FC30] =	vst v0;
	v0 =	vsel vm9, $0x606, v1;
	v1 =	vsel vm12, $0x1C00, v27  }
0x64: {  	v13 =	vand.u32 $0xF, v2;
	v1 =	vsel vm14, $0x1E01, v1  }
0x65: {  	v2 =	vimm.s32 $0x1C0F;
	v0 =	vsel vm8, $0x807, v0;
	v1 =	vsel vm15, $0x2, v1  }
0x66: {  	v2 =	vsel vm12, $0x1E00, v2;
	v0 =	vsel vm7, $0xA08, v0;
	v1 =	vsel vm13, $0x203, v1  }
0x67: {  	v2 =	vsel vm14, $0x1, v2;
	v0 =	vsel vm6, $0xC09, v0;
	v1 =	vsel vm11, $0x404, v1  }
0x68: {  	v2 =	vsel vm15, $0x202, v2;
	v0 =	vsel vm5, $0xE0A, v0;
	v1 =	vsel vm10, $0x605, v1  }
0x69: {  	v2 =	vsel vm13, $0x403, v2;
	v0 =	vsel vm4, $0x100B, v0;
	v1 =	vsel vm9, $0x806, v1  }
0x6a: {  	v2 =	vsel vm11, $0x604, v2;
	v0 =	vsel vm3, $0x120C, v0;
	v1 =	vsel vm8, $0xA07, v1  }
0x6b: {  	v2 =	vsel vm10, $0x805, v2;
	v0 =	vsel vm1, $0x140D, v0;
	v1 =	vsel vm7, $0xC08, v1  }
0x6c: {  	v18 =	vsel vm2, $0x160E, v0;
	v0 =	vsel vm6, $0xE09, v1;
	v1 =	vsel vm9, $0xA06, v2  }
0x6d: {  	v31 =	vcombine.low v30, v31;
	v1 =	vsel vm8, $0xC07, v1  }
0x6e: {  	v2 =	vimm.s32 $0x200F;
	v0 =	vsel vm5, $0x100A, v0;
	v1 =	vsel vm7, $0xE08, v1  }
0x6f: {  	v2 =	vsel vm12, $0x2200, v2;
	v0 =	vsel vm4, $0x120B, v0;
	v1 =	vsel vm6, $0x1009, v1  }
0x70: {  	v2 =	vsel vm14, $0x2401, v2;
	v0 =	vsel vm3, $0x140C, v0;
	v1 =	vsel vm5, $0x120A, v1  }
0x71: {  	v2 =	vsel vm15, $0x2602, v2;
	v0 =	vsel vm1, $0x160D, v0;
	v1 =	vsel vm4, $0x140B, v1  }
0x72: {  	v30 =	vsel vm2, $0x180E, v0;
	v0 =	vsel vm3, $0x160C, v1;
	v1 =	vsel vm13, $0x2803, v2  }
0x73: {  	v0 =	vsel vm1, $0x180D, v0;
	v1 =	vsel vm11, $0x2A04, v1  }
0x74: {  	v2 =	vimm.s32 $0x101F1E1D;
	v32 =	vsel vm2, $0x1A0E, v0;
	v0 =	vsel vm10, $0x2C05, v1  }
0x75: {  	v20 =	vunpack.c.0.s8.s32 v2;
	v0 =	vsel vm9, $0x2E06, v0  }
0x76: {  	v2 =	vimm.s32 $0x220F;
	v1 =	vimm.s32 $0x1C1B1A19;
	v0 =	vsel vm8, $0x3007, v0  }
0x77: {  	v19 =	vunpack.c.0.s8.s32 v1;
	v1 =	vimm.s32 $0x14131211;
	v0 =	vsel vm7, $0x3208, v0  }
0x78: {  	v21 =	vunpack.c.0.s8.s32 v1;
	v1 =	vsel vm12, $0x2400, v2;
	v0 =	vsel vm6, $0x3409, v0  }
0x79: {  	v1 =	vsel vm14, $0x2601, v1;
	v0 =	vsel vm5, $0x360A, v0  }
0x7a: {  	v1 =	vsel vm15, $0x2802, v1;
	v0 =	vsel vm4, $0x380B, v0  }
0x7b: {  	v1 =	vsel vm13, $0x2A03, v1;
	v0 =	vsel vm3, $0x3A0C, v0  }
0x7c: {  	v1 =	vsel vm11, $0x2C04, v1;
	v0 =	vsel vm1, $0x3C0D, v0  }
0x7d: {  	v53 =	vsel vm2, $0x3E0E, v0;
	v0 =	vsel vm10, $0x2E05, v1  }
0x7e: {  	v0 =	vsel vm9, $0x3006, v0  }
0x7f: {  	v0 =	vsel vm8, $0x3207, v0  }
0x80: {  	v0 =	vsel vm7, $0x3408, v0  }
0x81: {  	v0 =	vsel vm6, $0x3609, v0  }
0x82: {  	v0 =	vsel vm5, $0x380A, v0  }
0x83: {  	v0 =	vsel vm4, $0x3A0B, v0  }
0x84: {  	v0 =	vsel vm3, $0x3C0C, v0  }
0x85: {  	v0 =	vsel vm1, $0x3E0D, v0  }
0x86: {  	v50 =	vsel vm2, $0x200E, v0;
	v0 =	vimm.s32 $0x1E1D1C1B  }
0x87: {  	v2 =	vimm.s32 $0x18171615;
	v0 =	vunpack.c.0.s8.s32 v0  }
0x88: {  	v22 =	vunpack.c.0.s8.s32 v2;
	v2 =	vimm.s32 $0x240F  }
0x89: {  	v2 =	vsel vm12, $0x2600, v2;
	[tilespmem:$0x1FC40] =	vst v0;
	v0 =	vimm.s32 $0x1211101F  }
0x8a: {  	v1 =	vsel vm14, $0x2801, v2;
	v0 =	vunpack.c.0.s8.s32 v0  }
0x8b: {  	v1 =	vsel vm15, $0x2A02, v1  }
0x8c: {  	v1 =	vsel vm13, $0x2C03, v1;
	[tilespmem:$0x1FC50] =	vst v0;
	v0 =	vimm.s32 $0x16151413  }
0x8d: {  	v1 =	vsel vm11, $0x2E04, v1;
	v0 =	vunpack.c.0.s8.s32 v0  }
0x8e: {  	v1 =	vsel vm10, $0x3005, v1  }
0x8f: {  	v1 =	vsel vm9, $0x3206, v1;
	[tilespmem:$0x1FC60] =	vst v0;
	v0 =	vimm.s32 $0x1A191817  }
0x90: {  	v1 =	vsel vm8, $0x3407, v1;
	v0 =	vunpack.c.0.s8.s32 v0  }
0x91: {  	v1 =	vsel vm7, $0x3608, v1  }
0x92: {  	v1 =	vsel vm6, $0x3809, v1;
	[tilespmem:$0x1FC70] =	vst v0;
	v0 =	vimm.s32 $0x1F1E1D1C  }
0x93: {  	v1 =	vsel vm5, $0x3A0A, v1;
	v0 =	vunpack.c.0.s8.s32 v0  }
0x94: {  	v29 =	vcombine.low v28, v29;
	v1 =	vsel vm4, $0x3C0B, v1  }
0x95: {  	vm0 =	vcmask $0x1F10;
	v1 =	vsel vm3, $0x3E0C, v1;
	[tilespmem:$0x1FC80] =	vst v0;
	v0 =	vimm.s32 $0x13121110  }
0x96: {  	v28 =	vand.u32 $0xF, v29;
	v1 =	vsel vm1, $0x200D, v1;
	v0 =	vunpack.c.0.s8.s32 v0  }
0x97: {  	v2 =	vimm.s32 $0x1D1C1B1A;
	v55 =	vsel vm2, $0x220E, v1;
	v1 =	vimm.s32 $0x17161514  }
0x98: {  	v23 =	vunpack.c.0.s8.s32 v2;
	v2 =	vimm.s32 $0x11101F1E;
	[tilespmem:$0x1FC90] =	vst v0;
	v0 =	vunpack.c.0.s8.s32 v1  }
0x99: {  	v29 =	vor.u32 $0x10, v33;
	v34 =	vunpack.c.0.s8.s32 v2;
	v2 =	vimm.s32 $0x15141312  }
0x9a: {  	v31 =	vand.u32 $0xF, v31;
	v44 =	vunpack.c.0.s8.s32 v2;
	[tilespmem:$0x1FCA0] =	vst v0;
	v0 =	vimm.s32 $0x1B1A1918  }
0x9b: {  	v2 =	vimm.s32 $0x19181716;
	v1 =	vimm.s32 $0x280F;
	v0 =	vunpack.c.0.s8.s32 v0  }
0x9c: {  	v47 =	vunpack.c.0.s8.s32 v2;
	v2 =	vimm.s32 $0x2A0F;
	v1 =	vsel vm12, $0x2A00, v1  }
0x9d: {  	v2 =	vsel vm12, $0x2C00, v2;
	v1 =	vsel vm14, $0x2C01, v1;
	[tilespmem:$0x1FCB0] =	vst v0;
	v0 =	vimm.s32 $0x260F  }
0x9e: {  	v2 =	vsel vm14, $0x2E01, v2;
	v1 =	vsel vm15, $0x2E02, v1;
	v0 =	vsel vm12, $0x2800, v0  }
0x9f: {  	v11 =	vsel vm0, v47, v44;
	v1 =	vsel vm13, $0x3003, v1;
	v0 =	vsel vm14, $0x2A01, v0  }
0xa0: {  	v2 =	vsel vm15, $0x3002, v2;
	v1 =	vsel vm11, $0x3204, v1;
	v0 =	vsel vm15, $0x2C02, v0  }
0xa1: {  	v2 =	vsel vm13, $0x3203, v2;
	v1 =	vsel vm10, $0x3405, v1;
	v0 =	vsel vm13, $0x2E03, v0  }
0xa2: {  	v2 =	vsel vm11, $0x3404, v2;
	v1 =	vsel vm9, $0x3606, v1;
	v0 =	vsel vm11, $0x3004, v0  }
0xa3: {  	v2 =	vsel vm10, $0x3605, v2;
	v1 =	vsel vm8, $0x3807, v1;
	v0 =	vsel vm10, $0x3205, v0  }
0xa4: {  	v2 =	vsel vm9, $0x3806, v2;
	v1 =	vsel vm7, $0x3A08, v1;
	v0 =	vsel vm9, $0x3406, v0  }
0xa5: {  	v2 =	vsel vm8, $0x3A07, v2;
	v1 =	vsel vm6, $0x3C09, v1;
	v0 =	vsel vm8, $0x3607, v0  }
0xa6: {  	v2 =	vsel vm7, $0x3C08, v2;
	v1 =	vsel vm5, $0x3E0A, v1;
	v0 =	vsel vm7, $0x3808, v0  }
0xa7: {  	v2 =	vsel vm6, $0x3E09, v2;
	v1 =	vsel vm4, $0x200B, v1;
	v0 =	vsel vm6, $0x3A09, v0  }
0xa8: {  	v2 =	vsel vm5, $0x200A, v2;
	v1 =	vsel vm3, $0x220C, v1;
	v0 =	vsel vm5, $0x3C0A, v0  }
0xa9: {  	v2 =	vsel vm4, $0x220B, v2;
	v1 =	vsel vm1, $0x240D, v1;
	v0 =	vsel vm4, $0x3E0B, v0  }
0xaa: {  	v41 =	vsel vm2, $0x260E, v1;
	v1 =	vimm.s32 $0x2E0F;
	v0 =	vsel vm3, $0x200C, v0  }
0xab: {  	v2 =	vsel vm3, $0x240C, v2;
	v1 =	vsel vm12, $0x3000, v1;
	v0 =	vsel vm1, $0x220D, v0  }
0xac: {  	v1 =	vsel vm14, $0x3201, v1;
	v56 =	vsel vm2, $0x240E, v0;
	v0 =	vsel vm1, $0x260D, v2  }
0xad: {  	s0 =	rddreg [dreg:$0x0];
	v1 =	vsel vm15, $0x3402, v1;
	v60 =	vsel vm2, $0x280E, v0;
	v0 =	vimm.s32 $0x2C0F  }
0xae: {  	s7 =	rddreg [dreg:$0x1];
	s4 =	simm.s32 $0x0;
	v1 =	vsel vm13, $0x3603, v1;
	v2 =	vimm.s32 $0x300F;
	v0 =	vsel vm12, $0x2E00, v0  }
0xaf: {  	[smem:$0x7FF] =	sst s4;
	[tilespmem:$0x1FBF0] =	vst v9;
	v1 =	vsel vm11, $0x3804, v1;
	v2 =	vsel vm12, $0x3200, v2;
	v0 =	vsel vm14, $0x3001, v0  }
0xb0: {  	s3 =	rddreg [dreg:$0x2];
	_ =	strace $0x80000047;
	[tilespmem:$0x1FCC0] =	vst v19;
	v1 =	vsel vm10, $0x3A05, v1;
	v2 =	vsel vm14, $0x3401, v2;
	v0 =	vsel vm15, $0x3202, v0  }
0xb1: {  	[tilespmem:$0x1FCD0] =	vst v20;
	v1 =	vsel vm9, $0x3C06, v1;
	v2 =	vsel vm15, $0x3602, v2;
	v0 =	vsel vm13, $0x3403, v0  }
0xb2: {  	[tilespmem:$0x1FCE0] =	vst v21;
	v1 =	vsel vm8, $0x3E07, v1;
	v2 =	vsel vm13, $0x3803, v2;
	v0 =	vsel vm11, $0x3604, v0  }
0xb3: {  	[tilespmem:$0x1FCF0] =	vst v22;
	v1 =	vsel vm7, $0x2008, v1;
	v2 =	vsel vm11, $0x3A04, v2;
	v0 =	vsel vm10, $0x3805, v0  }
0xb4: {  	[tilespmem:$0x1FD00] =	vst v23;
	v1 =	vsel vm6, $0x2209, v1;
	v2 =	vsel vm10, $0x3C05, v2;
	v0 =	vsel vm9, $0x3A06, v0  }
0xb5: {  	[tilespmem:$0x1FD10] =	vst v34;
	v1 =	vsel vm5, $0x240A, v1;
	v2 =	vsel vm9, $0x3E06, v2;
	v0 =	vsel vm8, $0x3C07, v0  }
0xb6: {  	[tilespmem:$0x1FD20] =	vst v44;
	v1 =	vsel vm4, $0x260B, v1;
	v2 =	vsel vm8, $0x2007, v2;
	v0 =	vsel vm7, $0x3E08, v0  }
0xb7: {  	[tilespmem:$0x1FD30] =	vst v47;
	v1 =	vsel vm3, $0x280C, v1;
	v2 =	vsel vm7, $0x2208, v2;
	v0 =	vsel vm6, $0x2009, v0  }
0xb8: {  	[tilespmem:$0x1FD70] =	vst v11;
	v1 =	vsel vm1, $0x2A0D, v1;
	v2 =	vsel vm6, $0x2409, v2;
	v0 =	vsel vm5, $0x220A, v0  }
0xb9: {  	[tilespmem:$0x1FDC0] =	vst v17;
	v59 =	vsel vm2, $0x2C0E, v1;
	v2 =	vsel vm5, $0x260A, v2;
	v0 =	vsel vm4, $0x240B, v0  }
0xba: {  	[tilespmem:$0x1FDD0] =	vst v29;
	v1 =	vimm.s32 $0x340F;
	v2 =	vsel vm4, $0x280B, v2;
	v0 =	vsel vm3, $0x260C, v0  }
0xbb: {  	[tilespmem:$0x1FE00] =	vst v49;
	v1 =	vsel vm12, $0x3600, v1;
	v2 =	vsel vm3, $0x2A0C, v2;
	v0 =	vsel vm1, $0x280D, v0  }
0xbc: {  	[tilespmem:$0x1FE10] =	vst v7;
	v1 =	vsel vm14, $0x3801, v1;
	v37 =	vsel vm2, $0x2A0E, v0;
	v0 =	vsel vm1, $0x2C0D, v2  }
0xbd: {  	[tilespmem:$0x1FE20] =	vst v35;
	v1 =	vsel vm15, $0x3A02, v1;
	v9 =	vsel vm2, $0x2E0E, v0;
	v0 =	vimm.s32 $0x320F  }
0xbe: {  	[tilespmem:$0x1FE30] =	vst v46;
	v1 =	vsel vm13, $0x3C03, v1;
	v2 =	vimm.s32 $0x360F;
	v0 =	vsel vm12, $0x3400, v0  }
0xbf: {  	[tilespmem:$0x1FE40] =	vst v12;
	v1 =	vsel vm11, $0x3E04, v1;
	v2 =	vsel vm12, $0x3800, v2;
	v0 =	vsel vm14, $0x3601, v0  }
0xc0: {  	[tilespmem:$0x1FE50] =	vst v15;
	v1 =	vsel vm10, $0x2005, v1;
	v2 =	vsel vm14, $0x3A01, v2;
	v0 =	vsel vm15, $0x3802, v0  }
0xc1: {  	[tilespmem:$0x1FE60] =	vst v18;
	v1 =	vsel vm9, $0x2206, v1;
	v2 =	vsel vm15, $0x3C02, v2;
	v0 =	vsel vm13, $0x3A03, v0  }
0xc2: {  	[tilespmem:$0x1FE70] =	vst v30;
	v1 =	vsel vm8, $0x2407, v1;
	v2 =	vsel vm13, $0x3E03, v2;
	v0 =	vsel vm11, $0x3C04, v0  }
0xc3: {  	[tilespmem:$0x1FE80] =	vst v32;
	v1 =	vsel vm7, $0x2608, v1;
	v2 =	vsel vm11, $0x2004, v2;
	v0 =	vsel vm10, $0x3E05, v0  }
0xc4: {  	[tilespmem:$0x1FE90] =	vst v53;
	v1 =	vsel vm6, $0x2809, v1;
	v2 =	vsel vm10, $0x2205, v2;
	v0 =	vsel vm9, $0x2006, v0  }
0xc5: {  	[tilespmem:$0x1FEA0] =	vst v50;
	v1 =	vsel vm5, $0x2A0A, v1;
	v2 =	vsel vm9, $0x2406, v2;
	v0 =	vsel vm8, $0x2207, v0  }
0xc6: {  	[tilespmem:$0x1FEB0] =	vst v55;
	v1 =	vsel vm4, $0x2C0B, v1;
	v2 =	vsel vm8, $0x2607, v2;
	v0 =	vsel vm7, $0x2408, v0  }
0xc7: {  	[tilespmem:$0x1FEE0] =	vst v3;
	v1 =	vsel vm3, $0x2E0C, v1;
	v2 =	vsel vm7, $0x2808, v2;
	v0 =	vsel vm6, $0x2609, v0  }
0xc8: {  	[tilespmem:$0x1FEF0] =	vst v4;
	v1 =	vsel vm1, $0x300D, v1;
	v2 =	vsel vm6, $0x2A09, v2;
	v0 =	vsel vm5, $0x280A, v0  }
0xc9: {  	[tilespmem:$0x1FF00] =	vst v5;
	v62 =	vsel vm2, $0x320E, v1;
	v2 =	vsel vm5, $0x2C0A, v2;
	v0 =	vsel vm4, $0x2A0B, v0  }
0xca: {  	[tilespmem:$0x1FF10] =	vst v8;
	v1 =	vimm.s32 $0x3A0F;
	v2 =	vsel vm4, $0x2E0B, v2;
	v0 =	vsel vm3, $0x2C0C, v0  }
0xcb: {  	[tilespmem:$0x1FF20] =	vst v36;
	v1 =	vsel vm12, $0x3C00, v1;
	v2 =	vsel vm3, $0x300C, v2;
	v0 =	vsel vm1, $0x2E0D, v0  }
0xcc: {  	[tilespmem:$0x1FF30] =	vst v45;
	v1 =	vsel vm14, $0x3E01, v1;
	v61 =	vsel vm2, $0x300E, v0;
	v0 =	vsel vm1, $0x320D, v2  }
0xcd: {  	[tilespmem:$0x1FF40] =	vst v14;
	v1 =	vsel vm15, $0x2002, v1;
	v38 =	vsel vm2, $0x340E, v0;
	v0 =	vimm.s32 $0x380F  }
0xce: {  	[tilespmem:$0x1FF50] =	vst v16;
	v1 =	vsel vm13, $0x2203, v1;
	v2 =	vimm.s32 $0x3C0F;
	v0 =	vsel vm12, $0x3A00, v0  }
0xcf: {  	[tilespmem:$0x1FF60] =	vst v13;
	v1 =	vsel vm11, $0x2404, v1;
	v2 =	vsel vm12, $0x3E00, v2;
	v0 =	vsel vm14, $0x3C01, v0  }
0xd0: {  	[tilespmem:$0x1FF70] =	vst v28;
	v1 =	vsel vm10, $0x2605, v1;
	v2 =	vsel vm14, $0x2001, v2;
	v0 =	vsel vm15, $0x3E02, v0  }
0xd1: {  	[tilespmem:$0x1FF80] =	vst v31;
	v1 =	vsel vm9, $0x2806, v1;
	v2 =	vsel vm15, $0x2202, v2;
	v0 =	vsel vm13, $0x2003, v0  }
0xd2: {  	[tilespmem:$0x1FED0] =	vst v41;
	v1 =	vsel vm8, $0x2A07, v1;
	v2 =	vsel vm13, $0x2403, v2;
	v0 =	vsel vm11, $0x2204, v0  }
0xd3: {  	[tilespmem:$0x1FEC0] =	vst v56;
	v1 =	vsel vm7, $0x2C08, v1;
	v2 =	vsel vm11, $0x2604, v2;
	v0 =	vsel vm10, $0x2405, v0  }
0xd4: {  	[tilespmem:$0x1FFA0] =	vst v60;
	v1 =	vsel vm6, $0x2E09, v1;
	v2 =	vsel vm10, $0x2805, v2;
	v0 =	vsel vm9, $0x2606, v0  }
0xd5: {  	[tilespmem:$0x1FFC0] =	vst v59;
	v1 =	vsel vm5, $0x300A, v1;
	v2 =	vsel vm9, $0x2A06, v2;
	v0 =	vsel vm8, $0x2807, v0  }
0xd6: {  	[tilespmem:$0x1FFB0] =	vst v37;
	v1 =	vsel vm4, $0x320B, v1;
	v2 =	vsel vm8, $0x2C07, v2;
	v0 =	vsel vm7, $0x2A08, v0  }
0xd7: {  	[tilespmem:$0x1FFD0] =	vst v9;
	v1 =	vsel vm3, $0x340C, v1;
	v2 =	vsel vm7, $0x2E08, v2;
	v0 =	vsel vm6, $0x2C09, v0  }
0xd8: {  	[tilespmem:$0x1FFF0] =	vst v62;
	v1 =	vsel vm1, $0x360D, v1;
	v2 =	vsel vm6, $0x3009, v2;
	v0 =	vsel vm5, $0x2E0A, v0  }
0xd9: {  	[tilespmem:$0x1FFE0] =	vst v61;
	v40 =	vsel vm2, $0x380E, v1;
	v2 =	vsel vm5, $0x320A, v2;
	v0 =	vsel vm4, $0x300B, v0  }
0xda: {  	s2 =	srdreg.scid;
	[tilespmem:$0x1FDB0] =	vst v38;
	v1 =	vsel vm0, v22, v21;
	v2 =	vsel vm4, $0x340B, v2;
	v0 =	vsel vm3, $0x320C, v0  }
0xdb: {  	s1 =	stileid.u32;
	s12 =	simm.s32 $0x5;
	s13 =	simm.s32 $0x200;
	[tilespmem:$0x1FD50] =	vst v1;
	v2 =	vsel vm3, $0x360C, v2;
	v0 =	vsel vm1, $0x340D, v0  }
0xdc: {  	s14 =	simm.s32 $0x400;
	s15 =	simm.s32 $0x6;
	s16 =	simm.s32 $0x4400;
	[tilespmem:$0x1FD90] =	vst v40;
	v39 =	vsel vm2, $0x360E, v0;
	v0 =	vsel vm1, $0x380D, v2;
	v2 =	vsel vm0, v34, v23  }
0xdd: {  	s17 =	simm.s32 $0x1;
	s5 =	sand.u32 $0x1, s2;
	s6 =	sshll.u32 s1, $0x1;
	[tilespmem:$0x1FD60] =	vst v2  }
0xde: {  	s18 =	simm.s32 $0x8400;
	s19 =	simm.s32 $0x1000;
	s6 =	sor.u32 s5, s6;
	v63 =	vsel vm2, $0x3A0E, v0;
	v0 =	vsel vm0, v20, v19;
	[tilespmem:$0x1FDA0] =	vst v39  }
0xdf: {  	s20 =	simm.s32 $0xC400;
	s21 =	simm.s32 $0x3;
	s8 =	smul.u32 $0xC80, s6;
	[tilespmem:$0x1FD40] =	vst v0  }
0xe0: {  	s22 =	simm.s32 $0x4;
	s9 =	ssub.s32 $0x2, s5;
	s5 =	smul.u32 $0x32, s6;
	v19 =	vor.u32 $0x2000, v3;
	v23 =	vcombine.low v11, v2;
	[tilespmem:$0x1FD80] =	vst v63  }
0xe1: {  	s23 =	simm.s32 $0x0;
	s7 =	sadd.s32 $0xF42800, s7;
	s10 =	sshrl.u32 s9, $0x1;
	v10 =	vcombine.low v1, v0;
	[tilespmem:$0x1FDE0] =	vst v19  }
0xe2: {  	s11 =	ssub.s32 s9, s10;
	s6 =	sadd.s32 s0, s8;
	s9 =	sadd.s32 $0x2, s5;
	[tilespmem:$0x1FF90] =	vst v23  }
0xe3: {  	s10 =	sadd.s32 $0x3, s5;
	s11 =	smax.u32 s11, $0x1;
	s8 =	sadd.s32 $0x40, s6;
	[tilespmem:$0x1FDF0] =	vst v10  }
.LBB2_1:
0xe4: {  	[tilespmem:s4], [sflag:$0x5] =	stream.linear.gather [hbm4b:s6+s4], $0x200, $0x38;
	[tilespmem:$0x10400] =	vst v63  }
0xe5: {  	_ =	swait.ge [sflag:s12], $0x200  }
0xe6: {  	[sflag:s12] =	ssyncset.done $0x0  }
0xe7: {  	[sflag:s12] =	ssyncadd.s32 $0xFFFFFE00  }
0xe8: {  	[tilespmem:s14], [sflag:$0x1] =	stream.indirect.gather [hbm4b:s7+s13], $0x20, s4, s13, $0xb8;
	[tilespmem:$0x10400] =	vst v63  }
0xe9: {  	s24 =	simm.s32 $0x0  }
0xea: {  	[tilespmem:s13], [sflag:$0x6] =	stream.linear.gather [hbm4b:s8+s4], $0x200, $0x38;
	[tilespmem:$0x10400] =	vst v63  }
.LBB2_2:
0xeb: {  	_ =	swait.ge [sflag:s15], $0x200;
	p0 =	seq.s32 s24, $0x18  }
0xec: {  	[sflag:s15] =	ssyncset.done $0x0;
	p1 =	seq.s32 @!p0 s24, $0x0  }
0xed: {  	s25 =	sshll.u32 s24, $0x1;
	[sflag:s15] =	ssyncadd.s32 $0xFFFFFE00;
	p1 =	por p0, !p1  }
0xee: {  	[tilespmem:s16], [sflag:$0x2] =	stream.indirect.gather [hbm4b:s7+s13], $0x20, s13, s13, $0xb8;
	[tilespmem:$0x10400] =	vst v63  }
.Ltmp0:
0xef: {  	v44 =	vmovc v23;
	v38 =	vmovc v10;
	v9 =	vmov v19;
	v6 =	vmov v29;
	v61 =	vmov v37;
	s26 =	sadd.s32 @!p0 s25, s9;
	(pc) =	sbr.rel @!p1 .LBB2_3-.Ltmp0, $4  }
0xf0: {  	v33 =	vmovc v56;
	v43 =	vmovc v55;
	v52 =	vmov v32;
	v47 =	vmov v31;
	v42 =	vmov v30;
	s26 =	sshll.u32 @!p0 s26, $0x6;
	_ =	swait.ge [sflag:s17], $0x4000  }
0xf1: {  	v37 =	vmovc v28;
	v32 =	vmovc v18;
	v31 =	vmov v13;
	v26 =	vmov v17;
	v25 =	vmov v16;
	s26 =	sand.u32 @!p0 $0x1FFFFF80, s26;
	[sflag:s17] =	ssyncset.done $0x0  }
0xf2: {  	v24 =	vmovc v15;
	v23 =	vmovc v14;
	v22 =	vmov v12;
	v21 =	vmov v45;
	v20 =	vmov v46;
	s28 =	simm.s32 @!p0 $0x0;
	s26 =	sadd.s32 @!p0 s0, s26;
	[sflag:s17] =	ssyncadd.s32 $0xFFFFC000  }
0xf3: {  	v18 =	vmovc v35;
	v35 =	vmovc v8;
	v8 =	vmov v7;
	v11 =	vmov v5;
	v7 =	vmov v49;
	[tilespmem:s28], [sflag:$0x5] =	stream.linear.gather @!p0 [hbm4b:s26+s28], $0x200, $0x38;
	[tilespmem:$0x10400] =	vst v63  }
0xf4: {  	_ =	swait.ge [sflag:s21], $0x4000  }
0xf5: {  	v5 =	vld [tilespmem:$0x1FB90]  }
0xf6: {  	v13 =	vld [tilespmem:$0x1FBA0]  }
0xf7: {  	v12 =	vld [tilespmem:$0x1FBB0]  }
0xf8: {  	v14 =	vld [tilespmem:$0x1FBC0]  }
0xf9: {  	v15 =	vld [tilespmem:$0x1FBD0]  }
0xfa: {  	v16 =	vld [tilespmem:$0x1FBE0]  }
.Ltmp1:
0xfb: {  	v17 =	vld [tilespmem:$0x1FBF0];
	(pc) =	sbr.rel .LBB2_5-.Ltmp1, $4  }
0xfc: {  	v27 =	vld [tilespmem:$0x1FC00]  }
0xfd: {  	v28 =	vld [tilespmem:$0x1FC10]  }
0xfe: {  	[sflag:s21] =	ssyncset.done $0x0;
	v29 =	vld [tilespmem:$0x1FC20]  }
0xff: {  	p1 =	por $0x0, $0x0;
	v2 =	vlaneseq.u32;
	v30 =	vld [tilespmem:$0x1FC30];
	[sflag:s21] =	ssyncadd.s32 $0xFFFFC000  }
.LBB2_3:
0x100: {  	v5 =	vld [tilespmem:$0x1FB90]  }
0x101: {  	v13 =	vld [tilespmem:$0x1FBA0]  }
0x102: {  	v12 =	vld [tilespmem:$0x1FBB0]  }
0x103: {  	v14 =	vld [tilespmem:$0x1FBC0]  }
0x104: {  	v15 =	vld [tilespmem:$0x1FBD0]  }
0x105: {  	v16 =	vld [tilespmem:$0x1FBE0]  }
0x106: {  	v17 =	vld [tilespmem:$0x1FBF0]  }
0x107: {  	v27 =	vld [tilespmem:$0x1FC00]  }
0x108: {  	v28 =	vld [tilespmem:$0x1FC10]  }
0x109: {  	v29 =	vld [tilespmem:$0x1FC20]  }
0x10a: {  	p1 =	por @!p0 $0x1, $0x1;
	v2 =	vlaneseq.u32;
	v30 =	vld [tilespmem:$0x1FC30]  }
.LBB2_5:
0x10b: {  	s26 =	simm.s32 $0x0  }
0x10c: {  	v0 =	vmov s26  }
0x10d: {  	v0 =	vshll.u32 v0, $0x5  }
0x10e: {  	v1 =	vor.u32 v5, v0  }
0x10f: {  	v0 =	vor.u32 v2, v1;
	_ =	sdelay $0x1  }
0x110: {  	s28 =	simm.s32 $0x0  }
0x111: {  	s26 =	sand.u32 $0x70, s26;
	s28 =	sand.u32 $0xFFFFFF80, s28  }
0x112: {  	s26 =	sor.u32 s26, s28  }
0x113: {  	v2 =	vor.u32 s26, v3;
	v0 =	vld.idx.msk [tilespmem:v0+s14+$0x0], $0xffff  }
0x114: {  	v34 =	vor.u32 v13, v1;
	_ =	sdelay $0x3  }
0x115: {  	[tilespmem:v2+s18+$0x0] =	vst.idx.msk $0xffff, v0  }
0x116: {  	v2 =	vor.u32 s26, v12;
	v0 =	vld.idx.msk [tilespmem:v34+s14+$0x0], $0xffff  }
0x117: {  	v58 =	vor.u32 v4, v1;
	_ =	sdelay $0x3  }
0x118: {  	[tilespmem:v2+s18+$0x0] =	vst.idx.msk $0xffff, v0  }
0x119: {  	v2 =	vor.u32 s26, v7;
	v0 =	vld.idx.msk [tilespmem:v58+s14+$0x0], $0xffff  }
0x11a: {  	v62 =	vor.u32 v11, v1;
	_ =	sdelay $0x3  }
0x11b: {  	[tilespmem:v2+s18+$0x0] =	vst.idx.msk $0xffff, v0  }
0x11c: {  	v2 =	vor.u32 s26, v8;
	v0 =	vld.idx.msk [tilespmem:v62+s14+$0x0], $0xffff  }
0x11d: {  	v63 =	vor.u32 v35, v1;
	_ =	sdelay $0x3  }
0x11e: {  	[tilespmem:v2+s18+$0x0] =	vst.idx.msk $0xffff, v0  }
0x11f: {  	v2 =	vor.u32 s26, v14;
	v0 =	vld.idx.msk [tilespmem:v63+s14+$0x0], $0xffff  }
0x120: {  	v39 =	vor.u32 v15, v1;
	_ =	sdelay $0x3  }
0x121: {  	[tilespmem:v2+s18+$0x0] =	vst.idx.msk $0xffff, v0  }
0x122: {  	v2 =	vor.u32 s26, v16;
	v0 =	vld.idx.msk [tilespmem:v39+s14+$0x0], $0xffff  }
0x123: {  	v40 =	vor.u32 v17, v1;
	_ =	sdelay $0x3  }
0x124: {  	[tilespmem:v2+s18+$0x0] =	vst.idx.msk $0xffff, v0  }
0x125: {  	v2 =	vor.u32 s26, v18;
	v0 =	vld.idx.msk [tilespmem:v40+s14+$0x0], $0xffff  }
0x126: {  	v45 =	vor.u32 v36, v1;
	_ =	sdelay $0x3  }
0x127: {  	[tilespmem:v2+s18+$0x0] =	vst.idx.msk $0xffff, v0  }
0x128: {  	v2 =	vor.u32 s26, v20;
	v0 =	vld.idx.msk [tilespmem:v45+s14+$0x0], $0xffff  }
0x129: {  	v46 =	vor.u32 v21, v1;
	_ =	sdelay $0x3  }
0x12a: {  	[tilespmem:v2+s18+$0x0] =	vst.idx.msk $0xffff, v0  }
0x12b: {  	v2 =	vor.u32 s26, v22;
	v0 =	vld.idx.msk [tilespmem:v46+s14+$0x0], $0xffff  }
0x12c: {  	v48 =	vor.u32 v23, v1;
	_ =	sdelay $0x3  }
0x12d: {  	[tilespmem:v2+s18+$0x0] =	vst.idx.msk $0xffff, v0  }
0x12e: {  	v2 =	vor.u32 s26, v24;
	v0 =	vld.idx.msk [tilespmem:v48+s14+$0x0], $0xffff  }
0x12f: {  	v49 =	vor.u32 v25, v1;
	_ =	sdelay $0x3  }
0x130: {  	[tilespmem:v2+s18+$0x0] =	vst.idx.msk $0xffff, v0  }
0x131: {  	v2 =	vor.u32 s26, v26;
	v0 =	vld.idx.msk [tilespmem:v49+s14+$0x0], $0xffff  }
0x132: {  	v51 =	vor.u32 v27, v1;
	_ =	sdelay $0x3  }
0x133: {  	[tilespmem:v2+s18+$0x0] =	vst.idx.msk $0xffff, v0  }
0x134: {  	v2 =	vor.u32 s26, v28;
	v0 =	vld.idx.msk [tilespmem:v51+s14+$0x0], $0xffff  }
0x135: {  	v54 =	vor.u32 v29, v1;
	_ =	sdelay $0x3  }
0x136: {  	[tilespmem:v2+s18+$0x0] =	vst.idx.msk $0xffff, v0  }
0x137: {  	v2 =	vor.u32 s26, v30;
	v0 =	vld.idx.msk [tilespmem:v54+s14+$0x0], $0xffff  }
0x138: {  	v56 =	vor.u32 v31, v1;
	_ =	sdelay $0x3  }
0x139: {  	[tilespmem:v2+s18+$0x0] =	vst.idx.msk $0xffff, v0  }
0x13a: {  	v2 =	vor.u32 s26, v32;
	v0 =	vld.idx.msk [tilespmem:v56+s14+$0x0], $0xffff  }
0x13b: {  	v57 =	vor.u32 v37, v1;
	_ =	sdelay $0x3  }
0x13c: {  	[tilespmem:v2+s18+$0x0] =	vst.idx.msk $0xffff, v0  }
0x13d: {  	v2 =	vor.u32 s26, v42;
	v0 =	vld.idx.msk [tilespmem:v57+s14+$0x0], $0xffff  }
0x13e: {  	v58 =	vor.u32 v47, v1;
	_ =	sdelay $0x3  }
0x13f: {  	[tilespmem:v2+s18+$0x0] =	vst.idx.msk $0xffff, v0  }
0x140: {  	v2 =	vor.u32 s26, v52;
	v0 =	vld.idx.msk [tilespmem:v58+s14+$0x0], $0xffff  }
0x141: {  	v62 =	vor.u32 v6, v1;
	_ =	sdelay $0x3  }
0x142: {  	[tilespmem:v2+s18+$0x0] =	vst.idx.msk $0xffff, v0  }
0x143: {  	v2 =	vor.u32 s26, v9;
	v0 =	vld.idx.msk [tilespmem:v62+s14+$0x0], $0xffff  }
0x144: {  	v10 =	vmov v3;
	v13 =	vmov v7;
	v3 =	vor.u32 v38, v1;
	v7 =	vld [tilespmem:$0x1FCA0]  }
0x145: {  	v45 =	vld [tilespmem:$0x1FC40]  }
0x146: {  	v46 =	vld [tilespmem:$0x1FC50]  }
0x147: {  	v48 =	vld [tilespmem:$0x1FC60]  }
0x148: {  	v49 =	vld [tilespmem:$0x1FC70];
	[tilespmem:v2+s18+$0x0] =	vst.idx.msk $0xffff, v0  }
0x149: {  	v2 =	vor.u32 s26, v53;
	v0 =	vld.idx.msk [tilespmem:v3+s14+$0x0], $0xffff  }
0x14a: {  	v19 =	vmov v8;
	v8 =	vld [tilespmem:$0x1FCB0];
	v3 =	vor.u32 v44, v1  }
0x14b: {  	v51 =	vld [tilespmem:$0x1FC90]  }
0x14c: {  	v57 =	vld [tilespmem:$0x1FC80]  }
0x14d: {  	v38 =	vsel vm0, v46, v45;
	v62 =	vsel vm0, v49, v48  }
0x14e: {  	v12 =	vmov v4;
	v4 =	vcombine.low v62, v38;
	[tilespmem:v2+s18+$0x0] =	vst.idx.msk $0xffff, v0  }
0x14f: {  	v2 =	vor.u32 s26, v50;
	v0 =	vld.idx.msk [tilespmem:v3+s14+$0x0], $0xffff  }
0x150: {  	v3 =	vor.u32 v4, v1  }
0x151: {  	v6 =	vsel vm0, v51, v57;
	v54 =	vmov v4;
	v4 =	vsel vm0, v8, v7  }
0x152: {  	[tilespmem:$0x1FB50] =	vst v4;
	v4 =	vcombine.low v4, v6  }
0x153: {  	[tilespmem:$0x1FB60] =	vst v6  }
0x154: {  	v6 =	vmov v4;
	v63 =	vor.u32 v4, v1;
	v4 =	vld [tilespmem:$0x1FCE0];
	[tilespmem:v2+s18+$0x0] =	vst.idx.msk $0xffff, v0  }
0x155: {  	v0 =	vld.idx.msk [tilespmem:v3+s14+$0x0], $0xffff  }
0x156: {  	v3 =	vld [tilespmem:$0x1FCD0];
	_ =	sdelay $0x4  }
0x157: {  	v9 =	vsel vm0, v4, v3;
	v3 =	vld [tilespmem:$0x1FCC0]  }
0x158: {  	v4 =	vld [tilespmem:$0x1FCF0];
	_ =	sdelay $0x4  }
0x159: {  	v3 =	vsel vm0, v3, v4  }
0x15a: {  	[tilespmem:$0x1FB70] =	vst v3;
	v3 =	vcombine.low v3, v9  }
0x15b: {  	v4 =	vld [tilespmem:$0x1FD20]  }
0x15c: {  	[tilespmem:$0x1FB80] =	vst v9;
	v9 =	vmov v3;
	v34 =	vor.u32 v3, v1;
	v3 =	vld [tilespmem:$0x1FD10]  }
0x15d: {  	v2 =	vor.u32 s26, v43;
	_ =	sdelay $0x3  }
0x15e: {  	v39 =	vsel vm0, v4, v3;
	v3 =	vld [tilespmem:$0x1FD00]  }
0x15f: {  	[tilespmem:v2+s18+$0x0] =	vst.idx.msk $0xffff, v0;
	v4 =	vld [tilespmem:$0x1FD30]  }
0x160: {  	v2 =	vor.u32 s26, v33;
	v0 =	vld.idx.msk [tilespmem:v63+s14+$0x0], $0xffff;
	_ =	sdelay $0x3  }
0x161: {  	v40 =	vsel vm0, v3, v4  }
0x162: {  	[tilespmem:v2+s18+$0x0] =	vst.idx.msk $0xffff, v0;
	v3 =	vcombine.low v40, v39  }
0x163: {  	v2 =	vor.u32 s26, v41;
	v0 =	vld.idx.msk [tilespmem:v34+s14+$0x0], $0xffff  }
0x164: {  	v56 =	vmov v37;
	v37 =	vor.u32 v3, v1;
	_ =	sdelay $0x2  }
0x165: {  	v63 =	vsel vm0, v45, v49;
	v4 =	vsel vm0, v48, v46  }
0x166: {  	[tilespmem:v2+s18+$0x0] =	vst.idx.msk $0xffff, v0;
	v58 =	vcombine.low v63, v4  }
0x167: {  	v2 =	vor.u32 s26, v60;
	v0 =	vld.idx.msk [tilespmem:v37+s14+$0x0], $0xffff  }
0x168: {  	v49 =	vor.u32 v58, v1;
	_ =	sdelay $0x3  }
0x169: {  	[tilespmem:v2+s18+$0x0] =	vst.idx.msk $0xffff, v0  }
0x16a: {  	v2 =	vor.u32 s26, v61;
	v0 =	vld.idx.msk [tilespmem:v49+s14+$0x0], $0xffff;
	_ =	sdelay $0x2  }
0x16b: {  	v51 =	vsel vm0, v7, v51;
	v57 =	vsel vm0, v57, v8  }
0x16c: {  	v55 =	vmov v23;
	v23 =	vmov v44;
	v44 =	vcombine.low v57, v51  }
0x16d: {  	[tilespmem:v2+s18+$0x0] =	vst.idx.msk $0xffff, v0;
	v0 =	vld [tilespmem:$0x1FD40]  }
0x16e: {  	v46 =	vor.u32 v44, v1;
	v2 =	vld [tilespmem:$0x1FD50];
	_ =	sdelay $0x4  }
0x16f: {  	v45 =	vcombine.low v0, v2;
	v0 =	vld.idx.msk [tilespmem:v46+s14+$0x0], $0xffff;
	v2 =	vor.u32 s26, v59;
	_ =	sdelay $0x4  }
0x170: {  	[tilespmem:v2+s18+$0x0] =	vst.idx.msk $0xffff, v0;
	v0 =	vld [tilespmem:$0x1FD60]  }
0x171: {  	v2 =	vld [tilespmem:$0x1FD70];
	_ =	sdelay $0x4  }
0x172: {  	v26 =	vmovc v33;
	v33 =	vmov v60;
	v60 =	vor.u32 v45, v1;
	v46 =	vcombine.low v0, v2;
	v2 =	vld [tilespmem:$0x1FFD0];
	_ =	sdelay $0x4  }
0x173: {  	v0 =	vld.idx.msk [tilespmem:v60+s14+$0x0], $0xffff;
	v60 =	vmov v2;
	v2 =	vor.u32 s26, v2;
	_ =	sdelay $0x4  }
0x174: {  	v37 =	vmov v61;
	v61 =	vor.u32 v46, v1;
	[tilespmem:v2+s18+$0x0] =	vst.idx.msk $0xffff, v0;
	v2 =	vld [tilespmem:$0x1FFE0];
	_ =	sdelay $0x4  }
0x175: {  	v0 =	vld.idx.msk [tilespmem:v61+s14+$0x0], $0xffff;
	v61 =	vmov v2;
	v2 =	vor.u32 s26, v2;
	_ =	sdelay $0x4  }
0x176: {  	[tilespmem:v2+s18+$0x0] =	vst.idx.msk $0xffff, v0;
	v0 =	vld [tilespmem:$0x1FB50]  }
0x177: {  	v2 =	vld [tilespmem:$0x1FB60];
	_ =	sdelay $0x2  }
0x178: {  	v48 =	vcombine.low v38, v62;
	_ =	sdelay $0x1  }
0x179: {  	v34 =	vmov v3;
	v3 =	vor.u32 v48, v1;
	v49 =	vcombine.low v2, v0;
	v2 =	vld [tilespmem:$0x1FFF0];
	_ =	sdelay $0x4  }
0x17a: {  	v0 =	vld.idx.msk [tilespmem:v3+s14+$0x0], $0xffff;
	v62 =	vmov v2;
	v2 =	vor.u32 s26, v2;
	_ =	sdelay $0x4  }
0x17b: {  	[tilespmem:v2+s18+$0x0] =	vst.idx.msk $0xffff, v0;
	v0 =	vld [tilespmem:$0x1FB70]  }
0x17c: {  	v2 =	vld [tilespmem:$0x1FB80];
	_ =	sdelay $0x4  }
0x17d: {  	v38 =	vor.u32 v49, v1;
	v57 =	vcombine.low v2, v0;
	v2 =	vld [tilespmem:$0x1FDB0];
	_ =	sdelay $0x4  }
0x17e: {  	v0 =	vld.idx.msk [tilespmem:v38+s14+$0x0], $0xffff;
	v38 =	vmov v2;
	v2 =	vor.u32 s26, v2;
	_ =	sdelay $0x4  }
0x17f: {  	v3 =	vor.u32 v57, v1;
	[tilespmem:v2+s18+$0x0] =	vst.idx.msk $0xffff, v0;
	v0 =	vld [tilespmem:$0x1FDA0];
	_ =	sdelay $0x3  }
0x180: {  	v51 =	vcombine.low v39, v40  }
0x181: {  	v3 =	vld.idx.msk [tilespmem:v3+s14+$0x0], $0xffff;
	v2 =	vor.u32 s26, v0  }
0x182: {  	v39 =	vmov v0;
	v0 =	vor.u32 v51, v1;
	_ =	sdelay $0x3  }
0x183: {  	[tilespmem:v2+s18+$0x0] =	vst.idx.msk $0xffff, v3  }
0x184: {  	v3 =	vld.idx.msk [tilespmem:v0+s14+$0x0], $0xffff  }
0x185: {  	v0 =	vld [tilespmem:$0x1FD90];
	_ =	sdelay $0x4  }
0x186: {  	v2 =	vor.u32 s26, v0;
	_ =	sdelay $0x2  }
0x187: {  	v7 =	vld [tilespmem:$0x1FBA0];
	v40 =	vmov v0;
	v0 =	vcombine.low v4, v63  }
0x188: {  	s29 =	simm.s32 $0x10;
	v8 =	vld [tilespmem:$0x1FBB0]  }
0x189: {  	s30 =	simm.s32 $0x1;
	s31 =	simm.s32 $0x2;
	s28 =	sadd.s32 s5, s25;
	v63 =	vld [tilespmem:$0x1FD80];
	v1 =	vor.u32 v0, v1;
	[tilespmem:v2+s18+$0x0] =	vst.idx.msk $0xffff, v3;
	v2 =	vmov s29  }
.LBB2_6:
0x18a: {  	_ =	sdelay $0x2  }
0x18b: {  	v2 =	vshll.u32 v2, $0x5  }
0x18c: {  	v3 =	vld.idx.msk [tilespmem:v1+s14+$0x0], $0xffff;
	v4 =	vlaneseq.u32;
	v1 =	vor.u32 v5, v2;
	v2 =	vor.u32 s26, v63  }
0x18d: {  	v4 =	vor.u32 v4, v1;
	_ =	sdelay $0x1  }
0x18e: {  	s26 =	sshll.u32 s30, $0x4  }
0x18f: {  	s2 =	sand.u32 $0x70, s29;
	s26 =	sand.u32 $0xFFFFFF80, s26  }
0x190: {  	s26 =	sor.u32 s2, s26;
	[tilespmem:v2+s18+$0x0] =	vst.idx.msk $0xffff, v3  }
0x191: {  	v3 =	vor.u32 s26, v10;
	v2 =	vld.idx.msk [tilespmem:v4+s14+$0x0], $0xffff  }
0x192: {  	v4 =	vor.u32 v7, v1;
	_ =	sdelay $0x3  }
0x193: {  	[tilespmem:v3+s18+$0x0] =	vst.idx.msk $0xffff, v2  }
0x194: {  	v3 =	vor.u32 s26, v8;
	v2 =	vld.idx.msk [tilespmem:v4+s14+$0x0], $0xffff  }
0x195: {  	v4 =	vor.u32 v12, v1;
	_ =	sdelay $0x3  }
0x196: {  	[tilespmem:v3+s18+$0x0] =	vst.idx.msk $0xffff, v2  }
0x197: {  	v3 =	vor.u32 s26, v13;
	v2 =	vld.idx.msk [tilespmem:v4+s14+$0x0], $0xffff  }
0x198: {  	v4 =	vor.u32 v11, v1;
	_ =	sdelay $0x3  }
0x199: {  	[tilespmem:v3+s18+$0x0] =	vst.idx.msk $0xffff, v2  }
0x19a: {  	v3 =	vor.u32 s26, v19;
	v2 =	vld.idx.msk [tilespmem:v4+s14+$0x0], $0xffff  }
0x19b: {  	v4 =	vor.u32 v35, v1;
	_ =	sdelay $0x3  }
0x19c: {  	[tilespmem:v3+s18+$0x0] =	vst.idx.msk $0xffff, v2  }
0x19d: {  	v3 =	vor.u32 s26, v14;
	v2 =	vld.idx.msk [tilespmem:v4+s14+$0x0], $0xffff  }
0x19e: {  	v4 =	vor.u32 v15, v1;
	_ =	sdelay $0x3  }
0x19f: {  	[tilespmem:v3+s18+$0x0] =	vst.idx.msk $0xffff, v2  }
0x1a0: {  	v3 =	vor.u32 s26, v16;
	v2 =	vld.idx.msk [tilespmem:v4+s14+$0x0], $0xffff  }
0x1a1: {  	v4 =	vor.u32 v17, v1;
	_ =	sdelay $0x3  }
0x1a2: {  	[tilespmem:v3+s18+$0x0] =	vst.idx.msk $0xffff, v2  }
0x1a3: {  	v3 =	vor.u32 s26, v18;
	v2 =	vld.idx.msk [tilespmem:v4+s14+$0x0], $0xffff  }
0x1a4: {  	v4 =	vor.u32 v36, v1;
	_ =	sdelay $0x3  }
0x1a5: {  	[tilespmem:v3+s18+$0x0] =	vst.idx.msk $0xffff, v2  }
0x1a6: {  	v3 =	vor.u32 s26, v20;
	v2 =	vld.idx.msk [tilespmem:v4+s14+$0x0], $0xffff  }
0x1a7: {  	v4 =	vor.u32 v21, v1;
	_ =	sdelay $0x3  }
0x1a8: {  	[tilespmem:v3+s18+$0x0] =	vst.idx.msk $0xffff, v2  }
0x1a9: {  	v3 =	vor.u32 s26, v22;
	v2 =	vld.idx.msk [tilespmem:v4+s14+$0x0], $0xffff  }
0x1aa: {  	v4 =	vor.u32 v55, v1;
	_ =	sdelay $0x3  }
0x1ab: {  	[tilespmem:v3+s18+$0x0] =	vst.idx.msk $0xffff, v2  }
0x1ac: {  	v3 =	vor.u32 s26, v24;
	v2 =	vld.idx.msk [tilespmem:v4+s14+$0x0], $0xffff;
	_ =	sdelay $0x4  }
0x1ad: {  	v4 =	vor.u32 v25, v1;
	[tilespmem:v3+s18+$0x0] =	vst.idx.msk $0xffff, v2;
	v3 =	vld [tilespmem:$0x1FDC0];
	_ =	sdelay $0x4  }
0x1ae: {  	v2 =	vld.idx.msk [tilespmem:v4+s14+$0x0], $0xffff;
	v3 =	vor.u32 s26, v3  }
0x1af: {  	v4 =	vor.u32 v27, v1;
	_ =	sdelay $0x3  }
0x1b0: {  	[tilespmem:v3+s18+$0x0] =	vst.idx.msk $0xffff, v2  }
0x1b1: {  	v3 =	vor.u32 s26, v28;
	v2 =	vld.idx.msk [tilespmem:v4+s14+$0x0], $0xffff  }
0x1b2: {  	v4 =	vor.u32 v29, v1;
	_ =	sdelay $0x3  }
0x1b3: {  	[tilespmem:v3+s18+$0x0] =	vst.idx.msk $0xffff, v2  }
0x1b4: {  	v3 =	vor.u32 s26, v30;
	v2 =	vld.idx.msk [tilespmem:v4+s14+$0x0], $0xffff  }
0x1b5: {  	v4 =	vor.u32 v31, v1;
	_ =	sdelay $0x3  }
0x1b6: {  	[tilespmem:v3+s18+$0x0] =	vst.idx.msk $0xffff, v2  }
0x1b7: {  	v3 =	vor.u32 s26, v32;
	v2 =	vld.idx.msk [tilespmem:v4+s14+$0x0], $0xffff  }
0x1b8: {  	v4 =	vor.u32 v56, v1;
	_ =	sdelay $0x3  }
0x1b9: {  	[tilespmem:v3+s18+$0x0] =	vst.idx.msk $0xffff, v2  }
0x1ba: {  	v3 =	vor.u32 s26, v42;
	v2 =	vld.idx.msk [tilespmem:v4+s14+$0x0], $0xffff  }
0x1bb: {  	v4 =	vor.u32 v47, v1;
	_ =	sdelay $0x3  }
0x1bc: {  	[tilespmem:v3+s18+$0x0] =	vst.idx.msk $0xffff, v2  }
0x1bd: {  	v2 =	vld.idx.msk [tilespmem:v4+s14+$0x0], $0xffff  }
0x1be: {  	v4 =	vld [tilespmem:$0x1FDD0];
	_ =	sdelay $0x3  }
0x1bf: {  	v3 =	vor.u32 s26, v52  }
0x1c0: {  	v4 =	vor.u32 v4, v1;
	_ =	sdelay $0x3  }
0x1c1: {  	[tilespmem:v3+s18+$0x0] =	vst.idx.msk $0xffff, v2;
	v3 =	vld [tilespmem:$0x1FDE0]  }
0x1c2: {  	v2 =	vld.idx.msk [tilespmem:v4+s14+$0x0], $0xffff  }
0x1c3: {  	v4 =	vld [tilespmem:$0x1FDF0];
	_ =	sdelay $0x3  }
0x1c4: {  	v3 =	vor.u32 s26, v3  }
0x1c5: {  	v4 =	vor.u32 v4, v1;
	_ =	sdelay $0x3  }
0x1c6: {  	[tilespmem:v3+s18+$0x0] =	vst.idx.msk $0xffff, v2  }
0x1c7: {  	v3 =	vor.u32 s26, v53;
	v2 =	vld.idx.msk [tilespmem:v4+s14+$0x0], $0xffff  }
0x1c8: {  	v4 =	vor.u32 v23, v1;
	_ =	sdelay $0x3  }
0x1c9: {  	[tilespmem:v3+s18+$0x0] =	vst.idx.msk $0xffff, v2  }
0x1ca: {  	v3 =	vor.u32 s26, v50;
	v2 =	vld.idx.msk [tilespmem:v4+s14+$0x0], $0xffff  }
0x1cb: {  	v4 =	vor.u32 v54, v1;
	_ =	sdelay $0x3  }
0x1cc: {  	[tilespmem:v3+s18+$0x0] =	vst.idx.msk $0xffff, v2  }
0x1cd: {  	v3 =	vor.u32 s26, v43;
	v2 =	vld.idx.msk [tilespmem:v4+s14+$0x0], $0xffff  }
0x1ce: {  	v4 =	vor.u32 v6, v1;
	_ =	sdelay $0x3  }
0x1cf: {  	[tilespmem:v3+s18+$0x0] =	vst.idx.msk $0xffff, v2  }
0x1d0: {  	v3 =	vor.u32 s26, v26;
	v2 =	vld.idx.msk [tilespmem:v4+s14+$0x0], $0xffff  }
0x1d1: {  	v4 =	vor.u32 v9, v1;
	_ =	sdelay $0x3  }
0x1d2: {  	[tilespmem:v3+s18+$0x0] =	vst.idx.msk $0xffff, v2  }
0x1d3: {  	v3 =	vor.u32 s26, v41;
	v2 =	vld.idx.msk [tilespmem:v4+s14+$0x0], $0xffff  }
0x1d4: {  	v4 =	vor.u32 v34, v1;
	_ =	sdelay $0x3  }
0x1d5: {  	[tilespmem:v3+s18+$0x0] =	vst.idx.msk $0xffff, v2  }
0x1d6: {  	v3 =	vor.u32 s26, v33;
	v2 =	vld.idx.msk [tilespmem:v4+s14+$0x0], $0xffff  }
0x1d7: {  	v4 =	vor.u32 v58, v1;
	_ =	sdelay $0x3  }
0x1d8: {  	[tilespmem:v3+s18+$0x0] =	vst.idx.msk $0xffff, v2  }
0x1d9: {  	v3 =	vor.u32 s26, v37;
	v2 =	vld.idx.msk [tilespmem:v4+s14+$0x0], $0xffff  }
0x1da: {  	v4 =	vor.u32 v44, v1;
	_ =	sdelay $0x3  }
0x1db: {  	[tilespmem:v3+s18+$0x0] =	vst.idx.msk $0xffff, v2  }
0x1dc: {  	v3 =	vor.u32 s26, v59;
	v2 =	vld.idx.msk [tilespmem:v4+s14+$0x0], $0xffff  }
0x1dd: {  	v4 =	vor.u32 v45, v1;
	_ =	sdelay $0x3  }
0x1de: {  	[tilespmem:v3+s18+$0x0] =	vst.idx.msk $0xffff, v2  }
0x1df: {  	v3 =	vor.u32 s26, v60;
	v2 =	vld.idx.msk [tilespmem:v4+s14+$0x0], $0xffff  }
0x1e0: {  	v4 =	vor.u32 v46, v1;
	_ =	sdelay $0x3  }
0x1e1: {  	[tilespmem:v3+s18+$0x0] =	vst.idx.msk $0xffff, v2  }
0x1e2: {  	v3 =	vor.u32 s26, v61;
	v2 =	vld.idx.msk [tilespmem:v4+s14+$0x0], $0xffff  }
0x1e3: {  	v4 =	vor.u32 v48, v1;
	_ =	sdelay $0x3  }
0x1e4: {  	[tilespmem:v3+s18+$0x0] =	vst.idx.msk $0xffff, v2  }
0x1e5: {  	v3 =	vor.u32 s26, v62;
	v2 =	vld.idx.msk [tilespmem:v4+s14+$0x0], $0xffff  }
0x1e6: {  	v4 =	vor.u32 v49, v1;
	_ =	sdelay $0x3  }
0x1e7: {  	[tilespmem:v3+s18+$0x0] =	vst.idx.msk $0xffff, v2  }
0x1e8: {  	v3 =	vor.u32 s26, v38;
	v2 =	vld.idx.msk [tilespmem:v4+s14+$0x0], $0xffff  }
0x1e9: {  	v4 =	vor.u32 v57, v1;
	_ =	sdelay $0x3  }
0x1ea: {  	[tilespmem:v3+s18+$0x0] =	vst.idx.msk $0xffff, v2  }
0x1eb: {  	v3 =	vor.u32 s26, v39;
	v2 =	vld.idx.msk [tilespmem:v4+s14+$0x0], $0xffff  }
0x1ec: {  	v4 =	vor.u32 v51, v1;
	_ =	sdelay $0x3  }
0x1ed: {  	[tilespmem:v3+s18+$0x0] =	vst.idx.msk $0xffff, v2  }
0x1ee: {  	p2 =	sne.s32 s31, $0x1F;
	v3 =	vld.idx.msk [tilespmem:v4+s14+$0x0], $0xffff;
	v4 =	vor.u32 s26, v40  }
.Ltmp2:
0x1ef: {  	_ = 	snop;
	(pc) =	sbr.rel @p2 .LBB2_6-.Ltmp2, $3  }
0x1f0: {  	_ =	sdelay $0x1  }
0x1f1: {  	s29 =	sadd.s32 $0x10, s29  }
0x1f2: {  	s30 =	smov.u32 s31;
	s31 =	sadd.s32 $0x1, s31;
	v5 =	vld [tilespmem:$0x1FB90];
	v1 =	vor.u32 v0, v1;
	v2 =	vmov s29;
	[tilespmem:v4+s18+$0x0] =	vst.idx.msk $0xffff, v3  }
0x1f3: {  	_ =	sdelay $0x2  }
0x1f4: {  	v2 =	vshll.u32 v2, $0x5  }
0x1f5: {  	v3 =	vld.idx.msk [tilespmem:v1+s14+$0x0], $0xffff;
	v4 =	vlaneseq.u32;
	v1 =	vor.u32 v5, v2;
	v2 =	vor.u32 s26, v63  }
0x1f6: {  	v4 =	vor.u32 v4, v1;
	_ =	sdelay $0x1  }
0x1f7: {  	s2 =	sshll.u32 s30, $0x4  }
0x1f8: {  	s31 =	sand.u32 $0x70, s29;
	s2 =	sand.u32 $0xFFFFFF80, s2  }
0x1f9: {  	s26 =	sor.u32 s31, s2;
	[tilespmem:v2+s18+$0x0] =	vst.idx.msk $0xffff, v3  }
0x1fa: {  	v3 =	vor.u32 s26, v10;
	v2 =	vld.idx.msk [tilespmem:v4+s14+$0x0], $0xffff  }
0x1fb: {  	v4 =	vor.u32 v7, v1;
	_ =	sdelay $0x3  }
0x1fc: {  	[tilespmem:v3+s18+$0x0] =	vst.idx.msk $0xffff, v2  }
0x1fd: {  	v2 =	vld.idx.msk [tilespmem:v4+s14+$0x0], $0xffff;
	_ =	sdelay $0x4  }
0x1fe: {  	[tilespmem:$0x1FA00] =	vst v2  }
0x1ff: {  	v3 =	vor.u32 s26, v8;
	v2 =	vld [tilespmem:$0x1FA00]  }
0x200: {  	v4 =	vor.u32 v12, v1;
	_ =	sdelay $0x3  }
0x201: {  	[tilespmem:v3+s18+$0x0] =	vst.idx.msk $0xffff, v2  }
0x202: {  	v2 =	vld.idx.msk [tilespmem:v4+s14+$0x0], $0xffff;
	_ =	sdelay $0x4  }
0x203: {  	[tilespmem:$0x1FA10] =	vst v2  }
0x204: {  	v3 =	vor.u32 s26, v13;
	v2 =	vld [tilespmem:$0x1FA10]  }
0x205: {  	v4 =	vor.u32 v11, v1;
	_ =	sdelay $0x3  }
0x206: {  	[tilespmem:v3+s18+$0x0] =	vst.idx.msk $0xffff, v2  }
0x207: {  	v2 =	vld.idx.msk [tilespmem:v4+s14+$0x0], $0xffff;
	_ =	sdelay $0x4  }
0x208: {  	[tilespmem:$0x1FA20] =	vst v2  }
0x209: {  	v3 =	vor.u32 s26, v19;
	v2 =	vld [tilespmem:$0x1FA20]  }
0x20a: {  	v4 =	vor.u32 v35, v1;
	_ =	sdelay $0x3  }
0x20b: {  	[tilespmem:v3+s18+$0x0] =	vst.idx.msk $0xffff, v2  }
0x20c: {  	v3 =	vor.u32 s26, v14;
	v2 =	vld.idx.msk [tilespmem:v4+s14+$0x0], $0xffff  }
0x20d: {  	v4 =	vor.u32 v15, v1;
	_ =	sdelay $0x3  }
0x20e: {  	[tilespmem:v3+s18+$0x0] =	vst.idx.msk $0xffff, v2  }
0x20f: {  	v3 =	vor.u32 s26, v16;
	v2 =	vld.idx.msk [tilespmem:v4+s14+$0x0], $0xffff  }
0x210: {  	v4 =	vor.u32 v17, v1;
	_ =	sdelay $0x3  }
0x211: {  	[tilespmem:v3+s18+$0x0] =	vst.idx.msk $0xffff, v2  }
0x212: {  	v2 =	vld.idx.msk [tilespmem:v4+s14+$0x0], $0xffff;
	_ =	sdelay $0x4  }
0x213: {  	[tilespmem:$0x1FA30] =	vst v2  }
0x214: {  	v3 =	vor.u32 s26, v18;
	v2 =	vld [tilespmem:$0x1FA30]  }
0x215: {  	v4 =	vor.u32 v36, v1;
	_ =	sdelay $0x3  }
0x216: {  	[tilespmem:v3+s18+$0x0] =	vst.idx.msk $0xffff, v2  }
0x217: {  	v2 =	vld.idx.msk [tilespmem:v4+s14+$0x0], $0xffff;
	_ =	sdelay $0x4  }
0x218: {  	[tilespmem:$0x1FA40] =	vst v2  }
0x219: {  	v3 =	vor.u32 s26, v20;
	v2 =	vld [tilespmem:$0x1FA40]  }
0x21a: {  	v4 =	vor.u32 v21, v1;
	_ =	sdelay $0x3  }
0x21b: {  	[tilespmem:v3+s18+$0x0] =	vst.idx.msk $0xffff, v2  }
0x21c: {  	v2 =	vld.idx.msk [tilespmem:v4+s14+$0x0], $0xffff;
	_ =	sdelay $0x4  }
0x21d: {  	[tilespmem:$0x1FA50] =	vst v2  }
0x21e: {  	v3 =	vor.u32 s26, v22;
	v2 =	vld [tilespmem:$0x1FA50]  }
0x21f: {  	v4 =	vor.u32 v55, v1;
	_ =	sdelay $0x3  }
0x220: {  	[tilespmem:v3+s18+$0x0] =	vst.idx.msk $0xffff, v2  }
0x221: {  	v2 =	vld.idx.msk [tilespmem:v4+s14+$0x0], $0xffff;
	_ =	sdelay $0x4  }
0x222: {  	[tilespmem:$0x1FA60] =	vst v2  }
0x223: {  	v3 =	vor.u32 s26, v24;
	v2 =	vld [tilespmem:$0x1FA60];
	_ =	sdelay $0x4  }
0x224: {  	v4 =	vor.u32 v25, v1;
	[tilespmem:v3+s18+$0x0] =	vst.idx.msk $0xffff, v2;
	v3 =	vld [tilespmem:$0x1FDC0];
	_ =	sdelay $0x4  }
0x225: {  	v2 =	vld.idx.msk [tilespmem:v4+s14+$0x0], $0xffff;
	v3 =	vor.u32 s26, v3  }
0x226: {  	v4 =	vor.u32 v27, v1;
	_ =	sdelay $0x3  }
0x227: {  	[tilespmem:v3+s18+$0x0] =	vst.idx.msk $0xffff, v2  }
0x228: {  	v3 =	vor.u32 s26, v28;
	v2 =	vld.idx.msk [tilespmem:v4+s14+$0x0], $0xffff  }
0x229: {  	v4 =	vor.u32 v29, v1;
	_ =	sdelay $0x3  }
0x22a: {  	[tilespmem:v3+s18+$0x0] =	vst.idx.msk $0xffff, v2  }
0x22b: {  	v2 =	vld.idx.msk [tilespmem:v4+s14+$0x0], $0xffff;
	_ =	sdelay $0x4  }
0x22c: {  	[tilespmem:$0x1FA70] =	vst v2  }
0x22d: {  	v3 =	vor.u32 s26, v30;
	v2 =	vld [tilespmem:$0x1FA70]  }
0x22e: {  	v4 =	vor.u32 v31, v1;
	_ =	sdelay $0x3  }
0x22f: {  	[tilespmem:v3+s18+$0x0] =	vst.idx.msk $0xffff, v2  }
0x230: {  	v2 =	vld.idx.msk [tilespmem:v4+s14+$0x0], $0xffff;
	_ =	sdelay $0x4  }
0x231: {  	[tilespmem:$0x1FA80] =	vst v2  }
0x232: {  	v3 =	vor.u32 s26, v32;
	v2 =	vld [tilespmem:$0x1FA80]  }
0x233: {  	v4 =	vor.u32 v56, v1;
	_ =	sdelay $0x3  }
0x234: {  	[tilespmem:v3+s18+$0x0] =	vst.idx.msk $0xffff, v2  }
0x235: {  	v2 =	vld.idx.msk [tilespmem:v4+s14+$0x0], $0xffff;
	_ =	sdelay $0x4  }
0x236: {  	[tilespmem:$0x1FA90] =	vst v2  }
0x237: {  	v3 =	vor.u32 s26, v42;
	v2 =	vld [tilespmem:$0x1FA90]  }
0x238: {  	v4 =	vor.u32 v47, v1;
	_ =	sdelay $0x3  }
0x239: {  	[tilespmem:v3+s18+$0x0] =	vst.idx.msk $0xffff, v2  }
0x23a: {  	v2 =	vld.idx.msk [tilespmem:v4+s14+$0x0], $0xffff;
	_ =	sdelay $0x4  }
0x23b: {  	[tilespmem:$0x1FAA0] =	vst v2;
	v2 =	vld [tilespmem:$0x1FDD0];
	_ =	sdelay $0x4  }
0x23c: {  	v3 =	vor.u32 s26, v52;
	v4 =	vor.u32 v2, v1;
	v2 =	vld [tilespmem:$0x1FAA0];
	_ =	sdelay $0x4  }
0x23d: {  	[tilespmem:v3+s18+$0x0] =	vst.idx.msk $0xffff, v2  }
0x23e: {  	v2 =	vld.idx.msk [tilespmem:v4+s14+$0x0], $0xffff;
	_ =	sdelay $0x4  }
0x23f: {  	[tilespmem:$0x1FAB0] =	vst v2;
	v2 =	vld [tilespmem:$0x1FDE0];
	_ =	sdelay $0x4  }
0x240: {  	v3 =	vor.u32 s26, v2;
	v2 =	vld [tilespmem:$0x1FDF0];
	_ =	sdelay $0x4  }
0x241: {  	v4 =	vor.u32 v2, v1;
	v2 =	vld [tilespmem:$0x1FAB0];
	_ =	sdelay $0x4  }
0x242: {  	[tilespmem:v3+s18+$0x0] =	vst.idx.msk $0xffff, v2  }
0x243: {  	v2 =	vld.idx.msk [tilespmem:v4+s14+$0x0], $0xffff;
	_ =	sdelay $0x4  }
0x244: {  	[tilespmem:$0x1FAC0] =	vst v2  }
0x245: {  	v3 =	vor.u32 s26, v53;
	v2 =	vld [tilespmem:$0x1FAC0]  }
0x246: {  	v4 =	vor.u32 v23, v1;
	_ =	sdelay $0x3  }
0x247: {  	[tilespmem:v3+s18+$0x0] =	vst.idx.msk $0xffff, v2  }
0x248: {  	v2 =	vld.idx.msk [tilespmem:v4+s14+$0x0], $0xffff;
	_ =	sdelay $0x4  }
0x249: {  	[tilespmem:$0x1FAD0] =	vst v2  }
0x24a: {  	v3 =	vor.u32 s26, v50;
	v2 =	vld [tilespmem:$0x1FAD0]  }
0x24b: {  	v4 =	vor.u32 v54, v1;
	_ =	sdelay $0x3  }
0x24c: {  	[tilespmem:v3+s18+$0x0] =	vst.idx.msk $0xffff, v2  }
0x24d: {  	v2 =	vld.idx.msk [tilespmem:v4+s14+$0x0], $0xffff;
	_ =	sdelay $0x4  }
0x24e: {  	[tilespmem:$0x1FAE0] =	vst v2  }
0x24f: {  	v3 =	vor.u32 s26, v43;
	v2 =	vld [tilespmem:$0x1FAE0]  }
0x250: {  	v4 =	vor.u32 v6, v1;
	_ =	sdelay $0x3  }
0x251: {  	[tilespmem:v3+s18+$0x0] =	vst.idx.msk $0xffff, v2  }
0x252: {  	v2 =	vld.idx.msk [tilespmem:v4+s14+$0x0], $0xffff;
	_ =	sdelay $0x4  }
0x253: {  	[tilespmem:$0x1FAF0] =	vst v2  }
0x254: {  	v3 =	vor.u32 s26, v26;
	v2 =	vld [tilespmem:$0x1FAF0]  }
0x255: {  	v4 =	vor.u32 v9, v1;
	_ =	sdelay $0x3  }
0x256: {  	[tilespmem:v3+s18+$0x0] =	vst.idx.msk $0xffff, v2  }
0x257: {  	v2 =	vld.idx.msk [tilespmem:v4+s14+$0x0], $0xffff;
	_ =	sdelay $0x4  }
0x258: {  	[tilespmem:$0x1FB00] =	vst v2  }
0x259: {  	v3 =	vor.u32 s26, v41;
	v2 =	vld [tilespmem:$0x1FB00]  }
0x25a: {  	v4 =	vor.u32 v34, v1;
	_ =	sdelay $0x3  }
0x25b: {  	[tilespmem:v3+s18+$0x0] =	vst.idx.msk $0xffff, v2  }
0x25c: {  	v3 =	vor.u32 s26, v33;
	v2 =	vld.idx.msk [tilespmem:v4+s14+$0x0], $0xffff  }
0x25d: {  	v4 =	vor.u32 v58, v1;
	_ =	sdelay $0x3  }
0x25e: {  	[tilespmem:v3+s18+$0x0] =	vst.idx.msk $0xffff, v2  }
0x25f: {  	v3 =	vor.u32 s26, v37;
	v2 =	vld.idx.msk [tilespmem:v4+s14+$0x0], $0xffff  }
0x260: {  	v4 =	vor.u32 v44, v1;
	_ =	sdelay $0x3  }
0x261: {  	[tilespmem:v3+s18+$0x0] =	vst.idx.msk $0xffff, v2  }
0x262: {  	v3 =	vor.u32 s26, v59;
	v2 =	vld.idx.msk [tilespmem:v4+s14+$0x0], $0xffff  }
0x263: {  	v4 =	vor.u32 v45, v1;
	_ =	sdelay $0x3  }
0x264: {  	[tilespmem:v3+s18+$0x0] =	vst.idx.msk $0xffff, v2  }
0x265: {  	v3 =	vor.u32 s26, v60;
	v2 =	vld.idx.msk [tilespmem:v4+s14+$0x0], $0xffff  }
0x266: {  	v4 =	vor.u32 v46, v1;
	_ =	sdelay $0x3  }
0x267: {  	[tilespmem:v3+s18+$0x0] =	vst.idx.msk $0xffff, v2  }
0x268: {  	v3 =	vor.u32 s26, v61;
	v2 =	vld.idx.msk [tilespmem:v4+s14+$0x0], $0xffff  }
0x269: {  	v4 =	vor.u32 v48, v1;
	_ =	sdelay $0x3  }
0x26a: {  	[tilespmem:v3+s18+$0x0] =	vst.idx.msk $0xffff, v2  }
0x26b: {  	v3 =	vor.u32 s26, v62;
	v2 =	vld.idx.msk [tilespmem:v4+s14+$0x0], $0xffff  }
0x26c: {  	v4 =	vor.u32 v49, v1;
	_ =	sdelay $0x3  }
0x26d: {  	[tilespmem:v3+s18+$0x0] =	vst.idx.msk $0xffff, v2  }
0x26e: {  	v3 =	vor.u32 s26, v38;
	v2 =	vld.idx.msk [tilespmem:v4+s14+$0x0], $0xffff  }
0x26f: {  	v4 =	vor.u32 v57, v1;
	_ =	sdelay $0x3  }
0x270: {  	[tilespmem:v3+s18+$0x0] =	vst.idx.msk $0xffff, v2  }
0x271: {  	v3 =	vor.u32 s26, v39;
	v2 =	vld.idx.msk [tilespmem:v4+s14+$0x0], $0xffff  }
0x272: {  	v4 =	vor.u32 v51, v1;
	_ =	sdelay $0x3  }
0x273: {  	[tilespmem:v3+s18+$0x0] =	vst.idx.msk $0xffff, v2  }
0x274: {  	v3 =	vor.u32 s26, v40;
	v2 =	vld.idx.msk [tilespmem:v4+s14+$0x0], $0xffff  }
0x275: {  	v1 =	vor.u32 v0, v1;
	_ =	sdelay $0x3  }
0x276: {  	[tilespmem:v3+s18+$0x0] =	vst.idx.msk $0xffff, v2  }
0x277: {  	v2 =	vor.u32 s26, v63;
	v1 =	vld.idx.msk [tilespmem:v1+s14+$0x0], $0xffff;
	_ =	sdelay $0x1  }
0x278: {  	[tilespmem:$0x1FB10] =	vst v54;
	s26 =	sshll.u32 s28, $0x6  }
0x279: {  	[tilespmem:$0x1FB20] =	vst v6;
	s31 =	sshll.u32 s28, $0xB;
	s2 =	sand.u32 $0x180, s26  }
0x27a: {  	[tilespmem:$0x1FB30] =	vst v9;
	s26 =	sand.u32 $0xFFFC000, s31;
	s2 =	sadd.s32 s3, s2  }
0x27b: {  	s2 =	sadd.s32 s26, s2;
	[tilespmem:v2+s18+$0x0] =	vst.idx.msk $0xffff, v1  }
0x27c: {  	[hbm4b:s2+s13] =	stream.strided.scatter [tilespmem:s18], [sflag:$0x3], $0x4000, s19, s13, $0x38;
	[tilespmem:$0x10400] =	vst v63  }
0x27d: {  	[tilespmem:$0x1FB40] =	vst v34;
	s2 =	simm.s32 @p0 $0x2  }
0x27e: {  	_ =	swait.ge @p0 [sflag:s2], $0x4000  }
0x27f: {  	[sflag:s2] =	ssyncset.done @p0 $0x0  }
0x280: {  	[sflag:s2] =	ssyncadd.s32 @p0 $0xFFFFC000;
	s2 =	simm.s32 @!p0 $0x5  }
0x281: {  	_ =	swait.ge @!p0 [sflag:s2], $0x200  }
0x282: {  	s28 =	simm.s32 @!p0 $0x400;
	[sflag:s2] =	ssyncset.done @!p0 $0x0  }
0x283: {  	s26 =	simm.s32 @!p0 $0x0;
	[sflag:s2] =	ssyncadd.s32 @!p0 $0xFFFFFE00;
	s2 =	simm.s32 @!p0 $0x200  }
0x284: {  	[tilespmem:s28], [sflag:$0x1] =	stream.indirect.gather @!p0 [hbm4b:s7+s2], $0x20, s26, s2, $0xb8;
	[tilespmem:$0x10400] =	vst v63  }
0x285: {  	s29 =	sadd.s32 @!p0 s25, s10;
	s28 =	simm.s32 @!p0 $0x2  }
0x286: {  	s29 =	sshll.u32 @!p0 s29, $0x6;
	_ =	swait.ge @!p0 [sflag:s28], $0x4000  }
0x287: {  	s29 =	sand.u32 @!p0 $0x1FFFFFC0, s29;
	[sflag:s28] =	ssyncset.done @!p0 $0x0  }
0x288: {  	s30 =	simm.s32 $0x0;
	[sflag:s28] =	ssyncadd.s32 @!p0 $0xFFFFC000;
	s28 =	sadd.s32 @!p0 s0, s29  }
0x289: {  	v1 =	vmov s30;
	[tilespmem:s2], [sflag:$0x6] =	stream.linear.gather @!p0 [hbm4b:s28+s26], $0x200, $0x38;
	[tilespmem:$0x10400] =	vst v63  }
0x28a: {  	v1 =	vshll.u32 v1, $0x5;
	s2 =	simm.s32 @!p1 $0x4  }
0x28b: {  	v2 =	vlaneseq.u32;
	v1 =	vor.u32 v5, v1;
	_ =	swait.ge @!p1 [sflag:s2], $0x4000  }
0x28c: {  	v2 =	vor.u32 v2, v1;
	v3 =	vld [tilespmem:$0x1FEE0];
	_ =	sdelay $0x1  }
0x28d: {  	s31 =	simm.s32 $0x0  }
0x28e: {  	s28 =	sand.u32 $0x70, s30;
	s26 =	sand.u32 $0xFFFFFF80, s31;
	[sflag:s2] =	ssyncset.done @!p1 $0x0  }
0x28f: {  	s26 =	sor.u32 s28, s26;
	[sflag:s2] =	ssyncadd.s32 @!p1 $0xFFFFC000  }
0x290: {  	v2 =	vld.idx.msk [tilespmem:v2+s16+$0x0], $0xffff;
	v3 =	vor.u32 s26, v3  }
0x291: {  	v4 =	vor.u32 v7, v1;
	_ =	sdelay $0x3  }
0x292: {  	[tilespmem:v3+s20+$0x0] =	vst.idx.msk $0xffff, v2  }
0x293: {  	v2 =	vld.idx.msk [tilespmem:v4+s16+$0x0], $0xffff  }
0x294: {  	v4 =	vld [tilespmem:$0x1FEF0];
	_ =	sdelay $0x3  }
0x295: {  	v3 =	vor.u32 s26, v8  }
0x296: {  	v4 =	vor.u32 v4, v1;
	_ =	sdelay $0x3  }
0x297: {  	[tilespmem:v3+s20+$0x0] =	vst.idx.msk $0xffff, v2;
	v3 =	vld [tilespmem:$0x1FE00]  }
0x298: {  	v2 =	vld.idx.msk [tilespmem:v4+s16+$0x0], $0xffff  }
0x299: {  	v4 =	vld [tilespmem:$0x1FF00];
	_ =	sdelay $0x3  }
0x29a: {  	v3 =	vor.u32 s26, v3  }
0x29b: {  	v4 =	vor.u32 v4, v1;
	_ =	sdelay $0x3  }
0x29c: {  	[tilespmem:v3+s20+$0x0] =	vst.idx.msk $0xffff, v2;
	v3 =	vld [tilespmem:$0x1FE10]  }
0x29d: {  	v2 =	vld.idx.msk [tilespmem:v4+s16+$0x0], $0xffff  }
0x29e: {  	v4 =	vld [tilespmem:$0x1FF10];
	_ =	sdelay $0x3  }
0x29f: {  	v3 =	vor.u32 s26, v3  }
0x2a0: {  	v4 =	vor.u32 v4, v1;
	_ =	sdelay $0x3  }
0x2a1: {  	[tilespmem:v3+s20+$0x0] =	vst.idx.msk $0xffff, v2  }
0x2a2: {  	v3 =	vor.u32 s26, v14;
	v2 =	vld.idx.msk [tilespmem:v4+s16+$0x0], $0xffff  }
0x2a3: {  	v4 =	vor.u32 v15, v1;
	_ =	sdelay $0x3  }
0x2a4: {  	[tilespmem:v3+s20+$0x0] =	vst.idx.msk $0xffff, v2  }
0x2a5: {  	v3 =	vor.u32 s26, v16;
	v2 =	vld.idx.msk [tilespmem:v4+s16+$0x0], $0xffff  }
0x2a6: {  	v4 =	vor.u32 v17, v1;
	_ =	sdelay $0x3  }
0x2a7: {  	[tilespmem:v3+s20+$0x0] =	vst.idx.msk $0xffff, v2;
	v3 =	vld [tilespmem:$0x1FE20]  }
0x2a8: {  	v2 =	vld.idx.msk [tilespmem:v4+s16+$0x0], $0xffff  }
0x2a9: {  	v4 =	vld [tilespmem:$0x1FF20];
	_ =	sdelay $0x2  }
0x2aa: {  	v3 =	vor.u32 s26, v3;
	_ =	sdelay $0x1  }
0x2ab: {  	v4 =	vor.u32 v4, v1;
	_ =	sdelay $0x2  }
0x2ac: {  	[tilespmem:v3+s20+$0x0] =	vst.idx.msk $0xffff, v2;
	v3 =	vld [tilespmem:$0x1FE30];
	_ =	sdelay $0x1  }
0x2ad: {  	v2 =	vld.idx.msk [tilespmem:v4+s16+$0x0], $0xffff  }
0x2ae: {  	v4 =	vld [tilespmem:$0x1FF30];
	_ =	sdelay $0x1  }
0x2af: {  	v3 =	vor.u32 s26, v3;
	_ =	sdelay $0x2  }
0x2b0: {  	v4 =	vor.u32 v4, v1;
	_ =	sdelay $0x1  }
0x2b1: {  	[tilespmem:v3+s20+$0x0] =	vst.idx.msk $0xffff, v2;
	v3 =	vld [tilespmem:$0x1FE40];
	_ =	sdelay $0x2  }
0x2b2: {  	v2 =	vld.idx.msk [tilespmem:v4+s16+$0x0], $0xffff  }
0x2b3: {  	v4 =	vld [tilespmem:$0x1FF40]  }
0x2b4: {  	v3 =	vor.u32 s26, v3;
	_ =	sdelay $0x3  }
0x2b5: {  	v4 =	vor.u32 v4, v1  }
0x2b6: {  	[tilespmem:v3+s20+$0x0] =	vst.idx.msk $0xffff, v2;
	v3 =	vld [tilespmem:$0x1FE50];
	_ =	sdelay $0x3  }
0x2b7: {  	v2 =	vld.idx.msk [tilespmem:v4+s16+$0x0], $0xffff  }
0x2b8: {  	v4 =	vld [tilespmem:$0x1FF50];
	v3 =	vor.u32 s26, v3;
	_ =	sdelay $0x4  }
0x2b9: {  	v4 =	vor.u32 v4, v1;
	[tilespmem:v3+s20+$0x0] =	vst.idx.msk $0xffff, v2;
	v3 =	vld [tilespmem:$0x1FDC0];
	_ =	sdelay $0x4  }
0x2ba: {  	v2 =	vld.idx.msk [tilespmem:v4+s16+$0x0], $0xffff;
	v3 =	vor.u32 s26, v3  }
0x2bb: {  	v4 =	vor.u32 v27, v1;
	_ =	sdelay $0x3  }
0x2bc: {  	[tilespmem:v3+s20+$0x0] =	vst.idx.msk $0xffff, v2  }
0x2bd: {  	v3 =	vor.u32 s26, v28;
	v2 =	vld.idx.msk [tilespmem:v4+s16+$0x0], $0xffff  }
0x2be: {  	v4 =	vor.u32 v29, v1;
	_ =	sdelay $0x3  }
0x2bf: {  	[tilespmem:v3+s20+$0x0] =	vst.idx.msk $0xffff, v2  }
0x2c0: {  	v2 =	vld.idx.msk [tilespmem:v4+s16+$0x0], $0xffff  }
0x2c1: {  	v4 =	vld [tilespmem:$0x1FF60];
	_ =	sdelay $0x3  }
0x2c2: {  	v3 =	vor.u32 s26, v30  }
0x2c3: {  	v4 =	vor.u32 v4, v1;
	_ =	sdelay $0x3  }
0x2c4: {  	[tilespmem:v3+s20+$0x0] =	vst.idx.msk $0xffff, v2;
	v3 =	vld [tilespmem:$0x1FE60]  }
0x2c5: {  	v2 =	vld.idx.msk [tilespmem:v4+s16+$0x0], $0xffff  }
0x2c6: {  	v4 =	vld [tilespmem:$0x1FF70];
	_ =	sdelay $0x3  }
0x2c7: {  	v3 =	vor.u32 s26, v3  }
0x2c8: {  	v4 =	vor.u32 v4, v1;
	_ =	sdelay $0x3  }
0x2c9: {  	[tilespmem:v3+s20+$0x0] =	vst.idx.msk $0xffff, v2;
	v3 =	vld [tilespmem:$0x1FE70]  }
0x2ca: {  	v2 =	vld.idx.msk [tilespmem:v4+s16+$0x0], $0xffff  }
0x2cb: {  	v4 =	vld [tilespmem:$0x1FF80];
	_ =	sdelay $0x3  }
0x2cc: {  	v3 =	vor.u32 s26, v3  }
0x2cd: {  	v4 =	vor.u32 v4, v1;
	_ =	sdelay $0x3  }
0x2ce: {  	[tilespmem:v3+s20+$0x0] =	vst.idx.msk $0xffff, v2;
	v3 =	vld [tilespmem:$0x1FE80]  }
0x2cf: {  	v2 =	vld.idx.msk [tilespmem:v4+s16+$0x0], $0xffff  }
0x2d0: {  	v4 =	vld [tilespmem:$0x1FDD0];
	_ =	sdelay $0x3  }
0x2d1: {  	v3 =	vor.u32 s26, v3  }
0x2d2: {  	v4 =	vor.u32 v4, v1;
	_ =	sdelay $0x3  }
0x2d3: {  	[tilespmem:v3+s20+$0x0] =	vst.idx.msk $0xffff, v2;
	v3 =	vld [tilespmem:$0x1FDE0]  }
0x2d4: {  	v2 =	vld.idx.msk [tilespmem:v4+s16+$0x0], $0xffff  }
0x2d5: {  	v4 =	vld [tilespmem:$0x1FDF0];
	_ =	sdelay $0x3  }
0x2d6: {  	v3 =	vor.u32 s26, v3  }
0x2d7: {  	v4 =	vor.u32 v4, v1;
	_ =	sdelay $0x3  }
0x2d8: {  	[tilespmem:v3+s20+$0x0] =	vst.idx.msk $0xffff, v2;
	v3 =	vld [tilespmem:$0x1FE90]  }
0x2d9: {  	v2 =	vld.idx.msk [tilespmem:v4+s16+$0x0], $0xffff  }
0x2da: {  	v4 =	vld [tilespmem:$0x1FF90];
	_ =	sdelay $0x3  }
0x2db: {  	v3 =	vor.u32 s26, v3  }
0x2dc: {  	v4 =	vor.u32 v4, v1;
	_ =	sdelay $0x3  }
0x2dd: {  	[tilespmem:v3+s20+$0x0] =	vst.idx.msk $0xffff, v2;
	v3 =	vld [tilespmem:$0x1FEA0]  }
0x2de: {  	v2 =	vld.idx.msk [tilespmem:v4+s16+$0x0], $0xffff  }
0x2df: {  	v4 =	vld [tilespmem:$0x1FB10];
	_ =	sdelay $0x2  }
0x2e0: {  	v3 =	vor.u32 s26, v3;
	_ =	sdelay $0x1  }
0x2e1: {  	v4 =	vor.u32 v4, v1;
	_ =	sdelay $0x2  }
0x2e2: {  	[tilespmem:v3+s20+$0x0] =	vst.idx.msk $0xffff, v2;
	v3 =	vld [tilespmem:$0x1FEB0];
	_ =	sdelay $0x1  }
0x2e3: {  	v2 =	vld.idx.msk [tilespmem:v4+s16+$0x0], $0xffff  }
0x2e4: {  	v4 =	vld [tilespmem:$0x1FB20];
	_ =	sdelay $0x1  }
0x2e5: {  	v3 =	vor.u32 s26, v3;
	_ =	sdelay $0x2  }
0x2e6: {  	v4 =	vor.u32 v4, v1;
	_ =	sdelay $0x1  }
0x2e7: {  	[tilespmem:v3+s20+$0x0] =	vst.idx.msk $0xffff, v2;
	v3 =	vld [tilespmem:$0x1FEC0];
	_ =	sdelay $0x2  }
0x2e8: {  	v2 =	vld.idx.msk [tilespmem:v4+s16+$0x0], $0xffff  }
0x2e9: {  	v4 =	vld [tilespmem:$0x1FB30]  }
0x2ea: {  	v3 =	vor.u32 s26, v3;
	_ =	sdelay $0x3  }
0x2eb: {  	v4 =	vor.u32 v4, v1  }
0x2ec: {  	[tilespmem:v3+s20+$0x0] =	vst.idx.msk $0xffff, v2;
	v3 =	vld [tilespmem:$0x1FED0];
	_ =	sdelay $0x3  }
0x2ed: {  	v2 =	vld.idx.msk [tilespmem:v4+s16+$0x0], $0xffff  }
0x2ee: {  	v3 =	vor.u32 s26, v3;
	v4 =	vld [tilespmem:$0x1FB40];
	_ =	sdelay $0x4  }
0x2ef: {  	v4 =	vor.u32 v4, v1;
	[tilespmem:v3+s20+$0x0] =	vst.idx.msk $0xffff, v2;
	v3 =	vld [tilespmem:$0x1FFA0];
	_ =	sdelay $0x4  }
0x2f0: {  	v2 =	vld.idx.msk [tilespmem:v4+s16+$0x0], $0xffff;
	v3 =	vor.u32 s26, v3;
	_ =	sdelay $0x4  }
0x2f1: {  	v4 =	vor.u32 v58, v1;
	[tilespmem:v3+s20+$0x0] =	vst.idx.msk $0xffff, v2;
	v3 =	vld [tilespmem:$0x1FFB0];
	_ =	sdelay $0x4  }
0x2f2: {  	v2 =	vld.idx.msk [tilespmem:v4+s16+$0x0], $0xffff;
	v3 =	vor.u32 s26, v3;
	_ =	sdelay $0x4  }
0x2f3: {  	v4 =	vor.u32 v44, v1;
	[tilespmem:v3+s20+$0x0] =	vst.idx.msk $0xffff, v2;
	v3 =	vld [tilespmem:$0x1FFC0];
	_ =	sdelay $0x4  }
0x2f4: {  	v2 =	vld.idx.msk [tilespmem:v4+s16+$0x0], $0xffff;
	v3 =	vor.u32 s26, v3;
	_ =	sdelay $0x4  }
0x2f5: {  	v4 =	vor.u32 v45, v1;
	[tilespmem:v3+s20+$0x0] =	vst.idx.msk $0xffff, v2;
	v3 =	vld [tilespmem:$0x1FFD0];
	_ =	sdelay $0x4  }
0x2f6: {  	v2 =	vld.idx.msk [tilespmem:v4+s16+$0x0], $0xffff;
	v3 =	vor.u32 s26, v3;
	_ =	sdelay $0x4  }
0x2f7: {  	v4 =	vor.u32 v46, v1;
	[tilespmem:v3+s20+$0x0] =	vst.idx.msk $0xffff, v2;
	v3 =	vld [tilespmem:$0x1FFE0];
	_ =	sdelay $0x4  }
0x2f8: {  	v2 =	vld.idx.msk [tilespmem:v4+s16+$0x0], $0xffff;
	v3 =	vor.u32 s26, v3;
	_ =	sdelay $0x4  }
0x2f9: {  	v4 =	vor.u32 v48, v1;
	[tilespmem:v3+s20+$0x0] =	vst.idx.msk $0xffff, v2;
	v3 =	vld [tilespmem:$0x1FFF0];
	_ =	sdelay $0x4  }
0x2fa: {  	v2 =	vld.idx.msk [tilespmem:v4+s16+$0x0], $0xffff;
	v3 =	vor.u32 s26, v3;
	_ =	sdelay $0x4  }
0x2fb: {  	v4 =	vor.u32 v49, v1;
	[tilespmem:v3+s20+$0x0] =	vst.idx.msk $0xffff, v2;
	v3 =	vld [tilespmem:$0x1FDB0];
	_ =	sdelay $0x4  }
0x2fc: {  	v2 =	vld.idx.msk [tilespmem:v4+s16+$0x0], $0xffff;
	v3 =	vor.u32 s26, v3;
	_ =	sdelay $0x4  }
0x2fd: {  	v4 =	vor.u32 v57, v1;
	[tilespmem:v3+s20+$0x0] =	vst.idx.msk $0xffff, v2;
	v3 =	vld [tilespmem:$0x1FDA0];
	_ =	sdelay $0x4  }
0x2fe: {  	v2 =	vld.idx.msk [tilespmem:v4+s16+$0x0], $0xffff;
	v3 =	vor.u32 s26, v3;
	_ =	sdelay $0x4  }
0x2ff: {  	v4 =	vor.u32 v51, v1;
	[tilespmem:v3+s20+$0x0] =	vst.idx.msk $0xffff, v2;
	v3 =	vld [tilespmem:$0x1FD90];
	_ =	sdelay $0x4  }
0x300: {  	v2 =	vld.idx.msk [tilespmem:v4+s16+$0x0], $0xffff;
	v3 =	vor.u32 s26, v3;
	_ =	sdelay $0x3  }
0x301: {  	s31 =	sadd.s32 s25, s5;
	s28 =	simm.s32 $0x10  }
0x302: {  	s29 =	simm.s32 $0x1;
	s30 =	simm.s32 $0x2;
	s25 =	sadd.s32 $0x1, s31;
	v1 =	vor.u32 v0, v1;
	[tilespmem:v3+s20+$0x0] =	vst.idx.msk $0xffff, v2;
	v2 =	vmov s28  }
.LBB2_8:
0x303: {  	_ =	sdelay $0x2  }
0x304: {  	v2 =	vshll.u32 v2, $0x5  }
0x305: {  	v3 =	vld.idx.msk [tilespmem:v1+s16+$0x0], $0xffff;
	v4 =	vlaneseq.u32;
	v1 =	vor.u32 v5, v2;
	v2 =	vor.u32 s26, v63  }
0x306: {  	v4 =	vor.u32 v4, v1;
	_ =	sdelay $0x1  }
0x307: {  	s2 =	sshll.u32 s29, $0x4  }
0x308: {  	s31 =	sand.u32 $0x70, s28;
	s2 =	sand.u32 $0xFFFFFF80, s2  }
0x309: {  	s26 =	sor.u32 s31, s2;
	[tilespmem:v2+s20+$0x0] =	vst.idx.msk $0xffff, v3  }
0x30a: {  	v3 =	vor.u32 s26, v10;
	v2 =	vld.idx.msk [tilespmem:v4+s16+$0x0], $0xffff  }
0x30b: {  	v4 =	vor.u32 v7, v1;
	_ =	sdelay $0x3  }
0x30c: {  	[tilespmem:v3+s20+$0x0] =	vst.idx.msk $0xffff, v2  }
0x30d: {  	v3 =	vor.u32 s26, v8;
	v2 =	vld.idx.msk [tilespmem:v4+s16+$0x0], $0xffff  }
0x30e: {  	v4 =	vor.u32 v12, v1;
	_ =	sdelay $0x3  }
0x30f: {  	[tilespmem:v3+s20+$0x0] =	vst.idx.msk $0xffff, v2  }
0x310: {  	v3 =	vor.u32 s26, v13;
	v2 =	vld.idx.msk [tilespmem:v4+s16+$0x0], $0xffff  }
0x311: {  	v4 =	vor.u32 v11, v1;
	_ =	sdelay $0x3  }
0x312: {  	[tilespmem:v3+s20+$0x0] =	vst.idx.msk $0xffff, v2  }
0x313: {  	v3 =	vor.u32 s26, v19;
	v2 =	vld.idx.msk [tilespmem:v4+s16+$0x0], $0xffff  }
0x314: {  	v4 =	vor.u32 v35, v1;
	_ =	sdelay $0x3  }
0x315: {  	[tilespmem:v3+s20+$0x0] =	vst.idx.msk $0xffff, v2  }
0x316: {  	v3 =	vor.u32 s26, v14;
	v2 =	vld.idx.msk [tilespmem:v4+s16+$0x0], $0xffff  }
0x317: {  	v4 =	vor.u32 v15, v1;
	_ =	sdelay $0x3  }
0x318: {  	[tilespmem:v3+s20+$0x0] =	vst.idx.msk $0xffff, v2  }
0x319: {  	v3 =	vor.u32 s26, v16;
	v2 =	vld.idx.msk [tilespmem:v4+s16+$0x0], $0xffff  }
0x31a: {  	v4 =	vor.u32 v17, v1;
	_ =	sdelay $0x3  }
0x31b: {  	[tilespmem:v3+s20+$0x0] =	vst.idx.msk $0xffff, v2  }
0x31c: {  	v3 =	vor.u32 s26, v18;
	v2 =	vld.idx.msk [tilespmem:v4+s16+$0x0], $0xffff  }
0x31d: {  	v4 =	vor.u32 v36, v1;
	_ =	sdelay $0x3  }
0x31e: {  	[tilespmem:v3+s20+$0x0] =	vst.idx.msk $0xffff, v2  }
0x31f: {  	v3 =	vor.u32 s26, v20;
	v2 =	vld.idx.msk [tilespmem:v4+s16+$0x0], $0xffff  }
0x320: {  	v4 =	vor.u32 v21, v1;
	_ =	sdelay $0x3  }
0x321: {  	[tilespmem:v3+s20+$0x0] =	vst.idx.msk $0xffff, v2  }
0x322: {  	v3 =	vor.u32 s26, v22;
	v2 =	vld.idx.msk [tilespmem:v4+s16+$0x0], $0xffff  }
0x323: {  	v4 =	vor.u32 v55, v1;
	_ =	sdelay $0x3  }
0x324: {  	[tilespmem:v3+s20+$0x0] =	vst.idx.msk $0xffff, v2  }
0x325: {  	v3 =	vor.u32 s26, v24;
	v2 =	vld.idx.msk [tilespmem:v4+s16+$0x0], $0xffff;
	_ =	sdelay $0x4  }
0x326: {  	v4 =	vor.u32 v25, v1;
	[tilespmem:v3+s20+$0x0] =	vst.idx.msk $0xffff, v2;
	v3 =	vld [tilespmem:$0x1FDC0];
	_ =	sdelay $0x4  }
0x327: {  	v2 =	vld.idx.msk [tilespmem:v4+s16+$0x0], $0xffff;
	v3 =	vor.u32 s26, v3  }
0x328: {  	v4 =	vor.u32 v27, v1;
	_ =	sdelay $0x3  }
0x329: {  	[tilespmem:v3+s20+$0x0] =	vst.idx.msk $0xffff, v2  }
0x32a: {  	v3 =	vor.u32 s26, v28;
	v2 =	vld.idx.msk [tilespmem:v4+s16+$0x0], $0xffff  }
0x32b: {  	v4 =	vor.u32 v29, v1;
	_ =	sdelay $0x3  }
0x32c: {  	[tilespmem:v3+s20+$0x0] =	vst.idx.msk $0xffff, v2  }
0x32d: {  	v3 =	vor.u32 s26, v30;
	v2 =	vld.idx.msk [tilespmem:v4+s16+$0x0], $0xffff  }
0x32e: {  	v4 =	vor.u32 v31, v1;
	_ =	sdelay $0x3  }
0x32f: {  	[tilespmem:v3+s20+$0x0] =	vst.idx.msk $0xffff, v2  }
0x330: {  	v3 =	vor.u32 s26, v32;
	v2 =	vld.idx.msk [tilespmem:v4+s16+$0x0], $0xffff  }
0x331: {  	v4 =	vor.u32 v56, v1;
	_ =	sdelay $0x3  }
0x332: {  	[tilespmem:v3+s20+$0x0] =	vst.idx.msk $0xffff, v2  }
0x333: {  	v3 =	vor.u32 s26, v42;
	v2 =	vld.idx.msk [tilespmem:v4+s16+$0x0], $0xffff  }
0x334: {  	v4 =	vor.u32 v47, v1;
	_ =	sdelay $0x3  }
0x335: {  	[tilespmem:v3+s20+$0x0] =	vst.idx.msk $0xffff, v2  }
0x336: {  	v2 =	vld.idx.msk [tilespmem:v4+s16+$0x0], $0xffff  }
0x337: {  	v4 =	vld [tilespmem:$0x1FDD0];
	_ =	sdelay $0x3  }
0x338: {  	v3 =	vor.u32 s26, v52  }
0x339: {  	v4 =	vor.u32 v4, v1;
	_ =	sdelay $0x3  }
0x33a: {  	[tilespmem:v3+s20+$0x0] =	vst.idx.msk $0xffff, v2;
	v3 =	vld [tilespmem:$0x1FDE0]  }
0x33b: {  	v2 =	vld.idx.msk [tilespmem:v4+s16+$0x0], $0xffff  }
0x33c: {  	v4 =	vld [tilespmem:$0x1FDF0];
	_ =	sdelay $0x3  }
0x33d: {  	v3 =	vor.u32 s26, v3  }
0x33e: {  	v4 =	vor.u32 v4, v1;
	_ =	sdelay $0x3  }
0x33f: {  	[tilespmem:v3+s20+$0x0] =	vst.idx.msk $0xffff, v2  }
0x340: {  	v3 =	vor.u32 s26, v53;
	v2 =	vld.idx.msk [tilespmem:v4+s16+$0x0], $0xffff  }
0x341: {  	v4 =	vor.u32 v23, v1;
	_ =	sdelay $0x3  }
0x342: {  	[tilespmem:v3+s20+$0x0] =	vst.idx.msk $0xffff, v2  }
0x343: {  	v3 =	vor.u32 s26, v50;
	v2 =	vld.idx.msk [tilespmem:v4+s16+$0x0], $0xffff  }
0x344: {  	v4 =	vor.u32 v54, v1;
	_ =	sdelay $0x3  }
0x345: {  	[tilespmem:v3+s20+$0x0] =	vst.idx.msk $0xffff, v2  }
0x346: {  	v3 =	vor.u32 s26, v43;
	v2 =	vld.idx.msk [tilespmem:v4+s16+$0x0], $0xffff  }
0x347: {  	v4 =	vor.u32 v6, v1;
	_ =	sdelay $0x3  }
0x348: {  	[tilespmem:v3+s20+$0x0] =	vst.idx.msk $0xffff, v2  }
0x349: {  	v3 =	vor.u32 s26, v26;
	v2 =	vld.idx.msk [tilespmem:v4+s16+$0x0], $0xffff  }
0x34a: {  	v4 =	vor.u32 v9, v1;
	_ =	sdelay $0x3  }
0x34b: {  	[tilespmem:v3+s20+$0x0] =	vst.idx.msk $0xffff, v2  }
0x34c: {  	v3 =	vor.u32 s26, v41;
	v2 =	vld.idx.msk [tilespmem:v4+s16+$0x0], $0xffff  }
0x34d: {  	v4 =	vor.u32 v34, v1;
	_ =	sdelay $0x3  }
0x34e: {  	[tilespmem:v3+s20+$0x0] =	vst.idx.msk $0xffff, v2  }
0x34f: {  	v3 =	vor.u32 s26, v33;
	v2 =	vld.idx.msk [tilespmem:v4+s16+$0x0], $0xffff  }
0x350: {  	v4 =	vor.u32 v58, v1;
	_ =	sdelay $0x3  }
0x351: {  	[tilespmem:v3+s20+$0x0] =	vst.idx.msk $0xffff, v2  }
0x352: {  	v3 =	vor.u32 s26, v37;
	v2 =	vld.idx.msk [tilespmem:v4+s16+$0x0], $0xffff  }
0x353: {  	v4 =	vor.u32 v44, v1;
	_ =	sdelay $0x3  }
0x354: {  	[tilespmem:v3+s20+$0x0] =	vst.idx.msk $0xffff, v2  }
0x355: {  	v3 =	vor.u32 s26, v59;
	v2 =	vld.idx.msk [tilespmem:v4+s16+$0x0], $0xffff  }
0x356: {  	v4 =	vor.u32 v45, v1;
	_ =	sdelay $0x3  }
0x357: {  	[tilespmem:v3+s20+$0x0] =	vst.idx.msk $0xffff, v2  }
0x358: {  	v3 =	vor.u32 s26, v60;
	v2 =	vld.idx.msk [tilespmem:v4+s16+$0x0], $0xffff  }
0x359: {  	v4 =	vor.u32 v46, v1;
	_ =	sdelay $0x3  }
0x35a: {  	[tilespmem:v3+s20+$0x0] =	vst.idx.msk $0xffff, v2  }
0x35b: {  	v3 =	vor.u32 s26, v61;
	v2 =	vld.idx.msk [tilespmem:v4+s16+$0x0], $0xffff  }
0x35c: {  	v4 =	vor.u32 v48, v1;
	_ =	sdelay $0x3  }
0x35d: {  	[tilespmem:v3+s20+$0x0] =	vst.idx.msk $0xffff, v2  }
0x35e: {  	v3 =	vor.u32 s26, v62;
	v2 =	vld.idx.msk [tilespmem:v4+s16+$0x0], $0xffff  }
0x35f: {  	v4 =	vor.u32 v49, v1;
	_ =	sdelay $0x3  }
0x360: {  	[tilespmem:v3+s20+$0x0] =	vst.idx.msk $0xffff, v2  }
0x361: {  	v3 =	vor.u32 s26, v38;
	v2 =	vld.idx.msk [tilespmem:v4+s16+$0x0], $0xffff  }
0x362: {  	v4 =	vor.u32 v57, v1;
	_ =	sdelay $0x3  }
0x363: {  	[tilespmem:v3+s20+$0x0] =	vst.idx.msk $0xffff, v2  }
0x364: {  	v3 =	vor.u32 s26, v39;
	v2 =	vld.idx.msk [tilespmem:v4+s16+$0x0], $0xffff  }
0x365: {  	v4 =	vor.u32 v51, v1;
	_ =	sdelay $0x3  }
0x366: {  	[tilespmem:v3+s20+$0x0] =	vst.idx.msk $0xffff, v2  }
0x367: {  	p0 =	sne.s32 s30, $0x1F;
	v3 =	vld.idx.msk [tilespmem:v4+s16+$0x0], $0xffff;
	v4 =	vor.u32 s26, v40  }
.Ltmp3:
0x368: {  	_ = 	snop;
	(pc) =	sbr.rel @p0 .LBB2_8-.Ltmp3, $3  }
0x369: {  	_ =	sdelay $0x1  }
0x36a: {  	s28 =	sadd.s32 $0x10, s28  }
0x36b: {  	s29 =	smov.u32 s30;
	s30 =	sadd.s32 $0x1, s30;
	v1 =	vor.u32 v0, v1;
	v2 =	vmov s28;
	[tilespmem:v4+s20+$0x0] =	vst.idx.msk $0xffff, v3  }
0x36c: {  	_ =	sdelay $0x2  }
0x36d: {  	v2 =	vshll.u32 v2, $0x5  }
0x36e: {  	v3 =	vld.idx.msk [tilespmem:v1+s16+$0x0], $0xffff;
	v4 =	vlaneseq.u32;
	v1 =	vor.u32 v5, v2;
	v2 =	vor.u32 s26, v63  }
0x36f: {  	v4 =	vor.u32 v4, v1;
	_ =	sdelay $0x1  }
0x370: {  	s2 =	sshll.u32 s29, $0x4  }
0x371: {  	s29 =	sand.u32 $0x70, s28;
	s2 =	sand.u32 $0xFFFFFF80, s2  }
0x372: {  	s26 =	sor.u32 s29, s2;
	[tilespmem:v2+s20+$0x0] =	vst.idx.msk $0xffff, v3  }
0x373: {  	v3 =	vor.u32 s26, v10;
	v2 =	vld.idx.msk [tilespmem:v4+s16+$0x0], $0xffff  }
0x374: {  	v4 =	vor.u32 v7, v1;
	_ =	sdelay $0x3  }
0x375: {  	[tilespmem:v3+s20+$0x0] =	vst.idx.msk $0xffff, v2  }
0x376: {  	v3 =	vor.u32 s26, v8;
	v2 =	vld.idx.msk [tilespmem:v4+s16+$0x0], $0xffff  }
0x377: {  	v4 =	vor.u32 v12, v1;
	_ =	sdelay $0x3  }
0x378: {  	[tilespmem:v3+s20+$0x0] =	vst.idx.msk $0xffff, v2  }
0x379: {  	v3 =	vor.u32 s26, v13;
	v2 =	vld.idx.msk [tilespmem:v4+s16+$0x0], $0xffff  }
0x37a: {  	v4 =	vor.u32 v11, v1;
	_ =	sdelay $0x3  }
0x37b: {  	[tilespmem:v3+s20+$0x0] =	vst.idx.msk $0xffff, v2  }
0x37c: {  	v3 =	vor.u32 s26, v19;
	v2 =	vld.idx.msk [tilespmem:v4+s16+$0x0], $0xffff  }
0x37d: {  	v4 =	vor.u32 v35, v1;
	_ =	sdelay $0x3  }
0x37e: {  	[tilespmem:v3+s20+$0x0] =	vst.idx.msk $0xffff, v2  }
0x37f: {  	v3 =	vor.u32 s26, v14;
	v2 =	vld.idx.msk [tilespmem:v4+s16+$0x0], $0xffff  }
0x380: {  	v4 =	vor.u32 v15, v1;
	_ =	sdelay $0x3  }
0x381: {  	[tilespmem:v3+s20+$0x0] =	vst.idx.msk $0xffff, v2  }
0x382: {  	v3 =	vor.u32 s26, v16;
	v2 =	vld.idx.msk [tilespmem:v4+s16+$0x0], $0xffff  }
0x383: {  	v4 =	vor.u32 v17, v1;
	_ =	sdelay $0x3  }
0x384: {  	[tilespmem:v3+s20+$0x0] =	vst.idx.msk $0xffff, v2  }
0x385: {  	v3 =	vor.u32 s26, v18;
	v2 =	vld.idx.msk [tilespmem:v4+s16+$0x0], $0xffff  }
0x386: {  	v4 =	vor.u32 v36, v1;
	_ =	sdelay $0x3  }
0x387: {  	[tilespmem:v3+s20+$0x0] =	vst.idx.msk $0xffff, v2  }
0x388: {  	v3 =	vor.u32 s26, v20;
	v2 =	vld.idx.msk [tilespmem:v4+s16+$0x0], $0xffff  }
0x389: {  	v4 =	vor.u32 v21, v1;
	_ =	sdelay $0x3  }
0x38a: {  	[tilespmem:v3+s20+$0x0] =	vst.idx.msk $0xffff, v2  }
0x38b: {  	v3 =	vor.u32 s26, v22;
	v2 =	vld.idx.msk [tilespmem:v4+s16+$0x0], $0xffff  }
0x38c: {  	v4 =	vor.u32 v55, v1;
	_ =	sdelay $0x3  }
0x38d: {  	[tilespmem:v3+s20+$0x0] =	vst.idx.msk $0xffff, v2  }
0x38e: {  	v3 =	vor.u32 s26, v24;
	v2 =	vld.idx.msk [tilespmem:v4+s16+$0x0], $0xffff  }
0x38f: {  	v14 =	vmov v20;
	v20 =	vld [tilespmem:$0x1FDC0];
	v4 =	vor.u32 v25, v1;
	_ =	sdelay $0x3  }
0x390: {  	[tilespmem:v3+s20+$0x0] =	vst.idx.msk $0xffff, v2  }
0x391: {  	v3 =	vor.u32 s26, v20;
	v2 =	vld.idx.msk [tilespmem:v4+s16+$0x0], $0xffff  }
0x392: {  	v4 =	vor.u32 v27, v1;
	_ =	sdelay $0x3  }
0x393: {  	[tilespmem:v3+s20+$0x0] =	vst.idx.msk $0xffff, v2  }
0x394: {  	v3 =	vor.u32 s26, v28;
	v2 =	vld.idx.msk [tilespmem:v4+s16+$0x0], $0xffff  }
0x395: {  	v4 =	vor.u32 v29, v1;
	_ =	sdelay $0x3  }
0x396: {  	[tilespmem:v3+s20+$0x0] =	vst.idx.msk $0xffff, v2  }
0x397: {  	v3 =	vor.u32 s26, v30;
	v2 =	vld.idx.msk [tilespmem:v4+s16+$0x0], $0xffff  }
0x398: {  	v4 =	vor.u32 v31, v1;
	_ =	sdelay $0x3  }
0x399: {  	[tilespmem:v3+s20+$0x0] =	vst.idx.msk $0xffff, v2  }
0x39a: {  	v3 =	vor.u32 s26, v32;
	v2 =	vld.idx.msk [tilespmem:v4+s16+$0x0], $0xffff  }
0x39b: {  	v4 =	vor.u32 v56, v1;
	_ =	sdelay $0x3  }
0x39c: {  	[tilespmem:v3+s20+$0x0] =	vst.idx.msk $0xffff, v2  }
0x39d: {  	v3 =	vor.u32 s26, v42;
	v2 =	vld.idx.msk [tilespmem:v4+s16+$0x0], $0xffff  }
0x39e: {  	v4 =	vor.u32 v47, v1  }
0x39f: {  	v29 =	vld [tilespmem:$0x1FDD0];
	_ =	sdelay $0x2  }
0x3a0: {  	[tilespmem:v3+s20+$0x0] =	vst.idx.msk $0xffff, v2  }
0x3a1: {  	v3 =	vor.u32 s26, v52;
	v2 =	vld.idx.msk [tilespmem:v4+s16+$0x0], $0xffff  }
0x3a2: {  	v5 =	vmov v11;
	v11 =	vmov v19;
	v19 =	vld [tilespmem:$0x1FDE0];
	v4 =	vor.u32 v29, v1  }
0x3a3: {  	v10 =	vld [tilespmem:$0x1FDF0];
	_ =	sdelay $0x2  }
0x3a4: {  	[tilespmem:v3+s20+$0x0] =	vst.idx.msk $0xffff, v2  }
0x3a5: {  	v3 =	vor.u32 s26, v19;
	v2 =	vld.idx.msk [tilespmem:v4+s16+$0x0], $0xffff  }
0x3a6: {  	v4 =	vor.u32 v10, v1;
	_ =	sdelay $0x3  }
0x3a7: {  	[tilespmem:v3+s20+$0x0] =	vst.idx.msk $0xffff, v2  }
0x3a8: {  	v3 =	vor.u32 s26, v53;
	v2 =	vld.idx.msk [tilespmem:v4+s16+$0x0], $0xffff  }
0x3a9: {  	v4 =	vor.u32 v23, v1;
	_ =	sdelay $0x3  }
0x3aa: {  	[tilespmem:v3+s20+$0x0] =	vst.idx.msk $0xffff, v2  }
0x3ab: {  	v3 =	vor.u32 s26, v50;
	v2 =	vld.idx.msk [tilespmem:v4+s16+$0x0], $0xffff  }
0x3ac: {  	v4 =	vor.u32 v54, v1;
	_ =	sdelay $0x3  }
0x3ad: {  	[tilespmem:v3+s20+$0x0] =	vst.idx.msk $0xffff, v2  }
0x3ae: {  	v3 =	vor.u32 s26, v43;
	v2 =	vld.idx.msk [tilespmem:v4+s16+$0x0], $0xffff  }
0x3af: {  	v4 =	vor.u32 v6, v1;
	_ =	sdelay $0x3  }
0x3b0: {  	[tilespmem:v3+s20+$0x0] =	vst.idx.msk $0xffff, v2  }
0x3b1: {  	v3 =	vor.u32 s26, v26;
	v2 =	vld.idx.msk [tilespmem:v4+s16+$0x0], $0xffff  }
0x3b2: {  	v4 =	vor.u32 v9, v1;
	_ =	sdelay $0x3  }
0x3b3: {  	[tilespmem:v3+s20+$0x0] =	vst.idx.msk $0xffff, v2  }
0x3b4: {  	v3 =	vor.u32 s26, v41;
	v2 =	vld.idx.msk [tilespmem:v4+s16+$0x0], $0xffff  }
0x3b5: {  	v4 =	vor.u32 v34, v1;
	_ =	sdelay $0x3  }
0x3b6: {  	[tilespmem:v3+s20+$0x0] =	vst.idx.msk $0xffff, v2  }
0x3b7: {  	v3 =	vor.u32 s26, v33;
	v2 =	vld.idx.msk [tilespmem:v4+s16+$0x0], $0xffff  }
0x3b8: {  	v4 =	vor.u32 v58, v1;
	_ =	sdelay $0x3  }
0x3b9: {  	[tilespmem:v3+s20+$0x0] =	vst.idx.msk $0xffff, v2  }
0x3ba: {  	v3 =	vor.u32 s26, v37;
	v2 =	vld.idx.msk [tilespmem:v4+s16+$0x0], $0xffff  }
0x3bb: {  	v4 =	vor.u32 v44, v1;
	_ =	sdelay $0x3  }
0x3bc: {  	[tilespmem:v3+s20+$0x0] =	vst.idx.msk $0xffff, v2  }
0x3bd: {  	v3 =	vor.u32 s26, v59;
	v2 =	vld.idx.msk [tilespmem:v4+s16+$0x0], $0xffff  }
0x3be: {  	v4 =	vor.u32 v45, v1;
	_ =	sdelay $0x3  }
0x3bf: {  	[tilespmem:v3+s20+$0x0] =	vst.idx.msk $0xffff, v2  }
0x3c0: {  	v3 =	vor.u32 s26, v60;
	v2 =	vld.idx.msk [tilespmem:v4+s16+$0x0], $0xffff  }
0x3c1: {  	v4 =	vor.u32 v46, v1;
	_ =	sdelay $0x3  }
0x3c2: {  	[tilespmem:v3+s20+$0x0] =	vst.idx.msk $0xffff, v2  }
0x3c3: {  	v3 =	vor.u32 s26, v61;
	v2 =	vld.idx.msk [tilespmem:v4+s16+$0x0], $0xffff  }
0x3c4: {  	v4 =	vor.u32 v48, v1;
	_ =	sdelay $0x3  }
0x3c5: {  	[tilespmem:v3+s20+$0x0] =	vst.idx.msk $0xffff, v2  }
0x3c6: {  	v3 =	vor.u32 s26, v62;
	v2 =	vld.idx.msk [tilespmem:v4+s16+$0x0], $0xffff  }
0x3c7: {  	v4 =	vor.u32 v49, v1;
	_ =	sdelay $0x3  }
0x3c8: {  	[tilespmem:v3+s20+$0x0] =	vst.idx.msk $0xffff, v2  }
0x3c9: {  	v3 =	vor.u32 s26, v38;
	v2 =	vld.idx.msk [tilespmem:v4+s16+$0x0], $0xffff  }
0x3ca: {  	v4 =	vor.u32 v57, v1;
	_ =	sdelay $0x3  }
0x3cb: {  	[tilespmem:v3+s20+$0x0] =	vst.idx.msk $0xffff, v2  }
0x3cc: {  	v3 =	vor.u32 s26, v39;
	v2 =	vld.idx.msk [tilespmem:v4+s16+$0x0], $0xffff  }
0x3cd: {  	v4 =	vor.u32 v51, v1;
	_ =	sdelay $0x3  }
0x3ce: {  	[tilespmem:v3+s20+$0x0] =	vst.idx.msk $0xffff, v2  }
0x3cf: {  	v3 =	vor.u32 s26, v40;
	v2 =	vld.idx.msk [tilespmem:v4+s16+$0x0], $0xffff  }
0x3d0: {  	v0 =	vor.u32 v0, v1;
	_ =	sdelay $0x3  }
0x3d1: {  	[tilespmem:v3+s20+$0x0] =	vst.idx.msk $0xffff, v2  }
0x3d2: {  	s24 =	sadd.s32 $0x1, s24;
	v7 =	vmovc v12;
	v12 =	vmov v35;
	v16 =	vmov v22;
	v1 =	vor.u32 s26, v63;
	v0 =	vld.idx.msk [tilespmem:v0+s16+$0x0], $0xffff  }
0x3d3: {  	p0 =	sne.s32 s24, $0x19  }
.Ltmp4:
0x3d4: {  	s30 =	sshll.u32 s25, $0x6;
	v8 =	vmovc v12;
	v35 =	vmovc v18;
	v15 =	vmov v21;
	v17 =	vmov v55;
	v22 =	vmov v32;
	(pc) =	sbr.rel @p0 .LBB2_2-.Ltmp4, $4  }
0x3d5: {  	s31 =	sshll.u32 s25, $0xB;
	s2 =	sand.u32 $0x1C0, s30;
	v12 =	vmovc v16;
	v16 =	vmovc v25;
	v21 =	vmov v31;
	v55 =	vmov v43;
	v18 =	vmov v22  }
0x3d6: {  	s25 =	sand.u32 $0xFFFC000, s31;
	s2 =	sadd.s32 s3, s2;
	v28 =	vmovc v56;
	v30 =	vmovc v42;
	v31 =	vmov v47;
	v32 =	vmov v52;
	v56 =	vmov v26  }
0x3d7: {  	s2 =	sadd.s32 s25, s2;
	v45 =	vmovc v15;
	v15 =	vmovc v24;
	v60 =	vmov v33;
	v46 =	vmov v14;
	v14 =	vmov v17;
	[tilespmem:v1+s20+$0x0] =	vst.idx.msk $0xffff, v0  }
0x3d8: {  	v17 =	vmovc v20;
	v49 =	vmovc v13;
	v13 =	vmov v21;
	v4 =	vmov v7;
	v7 =	vmov v11;
	v3 =	vld [tilespmem:$0x1FEE0];
	[hbm4b:s2+s13] =	stream.strided.scatter [tilespmem:s20], [sflag:$0x4], $0x4000, s19, s13, $0x38  }
0x3d9: {  	s23 =	sadd.s32 $0x1, s23  }
0x3da: {  	_ =	swait.ge [sflag:s21], $0x4000;
	p0 =	sne.s32 s23, s11  }
.Ltmp5:
0x3db: {  	[sflag:s21] =	ssyncset.done $0x0;
	(pc) =	sbr.rel @p0 .LBB2_1-.Ltmp5, $4  }
0x3dc: {  	[sflag:s21] =	ssyncadd.s32 $0xFFFFC000  }
0x3dd: {  	_ =	swait.ge [sflag:s22], $0x4000  }
0x3de: {  	[sflag:s22] =	ssyncset.done $0x0  }
0x3df: {  	[sflag:s22] =	ssyncadd.s32 $0xFFFFC000  }
0x3e0: {  	_ =	sfence.sel $0x180000  }
0x3e1: {  	[bflag:$0x0] =	sbarrier.arrive $0xFFFF  }
0x3e2: {  	_ =	strace $0x90000047  }
0x3e3: {  	[bflag:$0x2] =	sbarrier.arrive $0xFFFF  }
0x3e4: {  	p0 =	sne.s32 s1, $0x0;
	s0 =	rddreg [dreg:$0x3]  }
0x3e5: {  	s0 =	sadd.s32 @!p0 $0x100000, s0  }
0x3e6: {  	[sflag:s0] =	ssyncadd.tile.s32 @!p0 $0x1;
	_ =	shalt  }
.Lfunc_end2:
_tile_overlayer_lowered:
.L_overlay_start_2:
0x3e7: {  	(tag) =	ssettag $0x2  }
0x3e8: {  	s0 =	rddreg [dreg:$0x0];
	s2 =	stileid.u32  }
0x3e9: {  	s1 =	rddreg [dreg:$0x1];
	p0 =	sne.s32 s2, $0x0  }
0x3ea: {  	s3 =	rddreg [dreg:$0x2];
	[bflag:$0x3] =	sbarrier.arrive $0xFFFF;
	s2 =	simm.s32 @!p0 $0x1C07  }
0x3eb: {  	[timem:s3], [sflag:s2] =	dma.local @!p0 [hbm:s0], s1  }
0x3ec: {  	s0 =	simm.s32 @!p0 $0x7  }
0x3ed: {  	_ =	swait.ge @!p0 [sflag:s0], s1  }
0x3ee: {  	s1 =	ssub.s32 @!p0 $0x0, s1;
	[sflag:s0] =	ssyncset.done @!p0 $0x0  }
0x3ef: {  	[sflag:s0] =	ssyncadd.s32 @!p0 s1  }
0x3f0: {  	[bflag:$0x3] =	sbarrier.arrive $0xFFFF  }
0x3f1: {  	_ =	shalt  }

</sc_bundles>
